<compile_context>
chip_gen: v7x
topology: tpu7x:2x2x1
jax: 0.10.2.dev20260603
libtpu: 0.0.44.dev20260713+nightly
codegen_flags: <defaults>
</compile_context>

<pallas_src>
import functools

import jax
import jax.numpy as jnp
from jax import lax
from jax.experimental import pallas as pl
from jax.experimental.pallas import tpu as pltpu
from jax.experimental.pallas import tpu_sc as plsc

D_MODEL = 1024
SEQ_LEN = 8192
NUM_CORES = 2
NUM_SUBCORES = 16
NUM_WORKERS = NUM_CORES * NUM_SUBCORES
ROWS_PER_WORKER = SEQ_LEN // NUM_WORKERS
CHUNK = 16
NUM_CHUNKS = ROWS_PER_WORKER // CHUNK
NBUF = 7
LOOKAHEAD = 5


def _embed_body(idx_hbm, table_hbm, out_hbm, idx_v, *rest):
    bufs = rest[:NBUF]
    gsems = rest[NBUF:2 * NBUF]
    ssems = rest[2 * NBUF:]
    wid = lax.axis_index("s") * NUM_CORES + lax.axis_index("c")
    base = wid * ROWS_PER_WORKER
    pltpu.sync_copy(idx_hbm.at[pl.ds(base, ROWS_PER_WORKER)], idx_v)
    ghandles = [None] * NBUF
    shandles = [None] * NBUF
    for c in range(min(LOOKAHEAD, NUM_CHUNKS)):
        b = c % NBUF
        ghandles[b] = pltpu.async_copy(
            table_hbm.at[idx_v.at[pl.ds(c * CHUNK, CHUNK)]], bufs[b], gsems[b])
    for c in range(NUM_CHUNKS):
        b = c % NBUF
        g = c + LOOKAHEAD
        if g < NUM_CHUNKS:
            gb = g % NBUF
            if shandles[gb] is not None:
                shandles[gb].wait()
            ghandles[gb] = pltpu.async_copy(
                table_hbm.at[idx_v.at[pl.ds(g * CHUNK, CHUNK)]], bufs[gb], gsems[gb])
        ghandles[b].wait()
        shandles[b] = pltpu.async_copy(
            bufs[b], out_hbm.at[pl.ds(base + c * CHUNK, CHUNK)], ssems[b])
    for c in range(max(0, NUM_CHUNKS - NBUF), NUM_CHUNKS):
        b = c % NBUF
        if shandles[b] is not None:
            shandles[b].wait()
            shandles[b] = None


_embed_gather = functools.partial(
    pl.kernel,
    mesh=plsc.VectorSubcoreMesh(core_axis_name="c", subcore_axis_name="s"),
    out_type=jax.ShapeDtypeStruct((SEQ_LEN, D_MODEL), jnp.float32),
    scratch_types=(
        [pltpu.VMEM((ROWS_PER_WORKER,), jnp.int32)]
        + [pltpu.VMEM((CHUNK, D_MODEL), jnp.float32) for _ in range(NBUF)]
        + [pltpu.SemaphoreType.DMA for _ in range(2 * NBUF)]
    ),
)(_embed_body)


def kernel(positions, weight):
    return _embed_gather(positions.astype(jnp.int32), weight)

# --- scband reference (transcript-rebuilt; emitter-appended) ---
"""Pipeline reference for scband-learnable-positional-embedding-26190710571388 (READ-ONLY COPY).

The authoritative reference and input builder live on the scoring server;
editing this copy changes nothing except your own understanding.
"""

import jax, jax.numpy as jnp
import numpy as np

MAX_LEN = 8192
D_MODEL = 1024
SEQ_LEN = 8192

def setup_inputs(seed: int = 0) -> dict:
    key = jax.random.key(seed)
    k1, k2 = jax.random.split(key)
    positions = jax.random.randint(k1, (SEQ_LEN,), 0, MAX_LEN, dtype=jnp.int64 if jax.config.jax_enable_x64 else jnp.int32)
    weight = jax.random.normal(k2, (MAX_LEN, D_MODEL), dtype=jnp.float32) * 0.02
    return {"positions": positions, "weight": weight}

def reference(positions, weight):
    # weight[positions] -> gather rows of the positional embedding table
    return jnp.take(weight, positions, axis=0)

if __name__ == "__main__":
    import jax
    _d = setup_inputs()
    print(jax.jit(kernel)(*tuple(_d.values())))

</pallas_src>

<mosaic_0001>
#map = affine_map<(d0, d1) -> (0)>
#map1 = affine_map<(d0, d1) -> (0, 0)>
module attributes {stable_mosaic.version = 14 : i64} {
  func.func @_embed_body(%arg0: i32, %arg1: i32, %arg2: memref<8192xi32, #tpu.memory_space<hbm>>, %arg3: memref<8192x1024xf32, #tpu.memory_space<hbm>>, %arg4: memref<8192x1024xf32, #tpu.memory_space<hbm>>, %arg5: memref<256xi32, #tpu.memory_space<vmem>>, %arg6: memref<16x1024xf32, #tpu.memory_space<vmem>>, %arg7: memref<16x1024xf32, #tpu.memory_space<vmem>>, %arg8: memref<16x1024xf32, #tpu.memory_space<vmem>>, %arg9: memref<16x1024xf32, #tpu.memory_space<vmem>>, %arg10: memref<16x1024xf32, #tpu.memory_space<vmem>>, %arg11: memref<16x1024xf32, #tpu.memory_space<vmem>>, %arg12: memref<16x1024xf32, #tpu.memory_space<vmem>>, %arg13: memref<!tpu.dma_semaphore, #tpu.memory_space<semaphore_mem>>, %arg14: memref<!tpu.dma_semaphore, #tpu.memory_space<semaphore_mem>>, %arg15: memref<!tpu.dma_semaphore, #tpu.memory_space<semaphore_mem>>, %arg16: memref<!tpu.dma_semaphore, #tpu.memory_space<semaphore_mem>>, %arg17: memref<!tpu.dma_semaphore, #tpu.memory_space<semaphore_mem>>, %arg18: memref<!tpu.dma_semaphore, #tpu.memory_space<semaphore_mem>>, %arg19: memref<!tpu.dma_semaphore, #tpu.memory_space<semaphore_mem>>, %arg20: memref<!tpu.dma_semaphore, #tpu.memory_space<semaphore_mem>>, %arg21: memref<!tpu.dma_semaphore, #tpu.memory_space<semaphore_mem>>, %arg22: memref<!tpu.dma_semaphore, #tpu.memory_space<semaphore_mem>>, %arg23: memref<!tpu.dma_semaphore, #tpu.memory_space<semaphore_mem>>, %arg24: memref<!tpu.dma_semaphore, #tpu.memory_space<semaphore_mem>>, %arg25: memref<!tpu.dma_semaphore, #tpu.memory_space<semaphore_mem>>, %arg26: memref<!tpu.dma_semaphore, #tpu.memory_space<semaphore_mem>>) attributes {dimension_semantics = [#tpu.dimension_semantics<core_parallel>, #tpu.dimension_semantics<subcore_parallel>], iteration_bounds = array<i64: 2, 16>, scalar_prefetch = 0 : i64, scratch_operands = 22 : i64, tpu.core_type = #tpu.core_type<sc_vector_subcore>, window_params = [{transform_indices = #map}, {transform_indices = #map1}, {transform_indices = #map1}]} {
    %mul3A = arith.constant 2 : i32
    %mul3A_0 = arith.muli %arg1, %mul3A : i32
    %add3A = arith.addi %mul3A_0, %arg0 : i32
    %mul3A_1 = arith.constant 256 : i32
    %mul3A_2 = arith.muli %add3A, %mul3A_1 : i32
    "tpu.region"() ({
      %run_scoped3A = tpu.sem_alloc : memref<!tpu.dma_semaphore, #tpu.memory_space<semaphore_mem>>
      %dma_start3A_321 = tpu.memref_slice %arg2[%mul3A_2] : memref<8192xi32, #tpu.memory_space<hbm>> -> memref<256xi32, #tpu.memory_space<hbm>>
      %dma_start3A_322 = tpu.memref_slice %arg2[%mul3A_2] : memref<8192xi32, #tpu.memory_space<hbm>> -> memref<256xi32, #tpu.memory_space<hbm>>
      tpu.enqueue_dma source(%dma_start3A_322 : memref<256xi32, #tpu.memory_space<hbm>>) target(%arg5 : memref<256xi32, #tpu.memory_space<vmem>>) target_semaphore(%run_scoped3A : memref<!tpu.dma_semaphore, #tpu.memory_space<semaphore_mem>>)
      %dma_wait3A_323 = tpu.memref_slice %arg2[%mul3A_2] : memref<8192xi32, #tpu.memory_space<hbm>> -> memref<256xi32, #tpu.memory_space<hbm>>
      %dma_wait3A_324 = tpu.memref_slice %arg2[%mul3A_2] : memref<8192xi32, #tpu.memory_space<hbm>> -> memref<256xi32, #tpu.memory_space<hbm>>
      tpu.wait_dma2 semaphore(%run_scoped3A : memref<!tpu.dma_semaphore, #tpu.memory_space<semaphore_mem>>) src(%dma_wait3A_324 : memref<256xi32, #tpu.memory_space<hbm>>) dst(%arg5 : memref<256xi32, #tpu.memory_space<vmem>>)
      tpu.yield
    }) : () -> ()
    %dma_start3A = arith.constant 0 : i32
    %dma_start3A_3 = tpu.memref_slice %arg5[%dma_start3A] : memref<256xi32, #tpu.memory_space<vmem>> -> memref<16xi32, #tpu.memory_space<vmem>>
    %dma_start3A_4 = arith.constant 0 : i32
    %dma_start3A_5 = arith.constant 0 : i32
    %dma_start3A_6 = tpu.memref_slice %arg3[%dma_start3A_4, %dma_start3A_5] : memref<8192x1024xf32, #tpu.memory_space<hbm>> -> memref<8192x1024xf32, #tpu.memory_space<hbm>>
    tpu.enqueue_indirect_dma source(%dma_start3A_6 : memref<8192x1024xf32, #tpu.memory_space<hbm>>) target(%arg6 : memref<16x1024xf32, #tpu.memory_space<vmem>>) offsets(%dma_start3A_3 : memref<16xi32, #tpu.memory_space<vmem>>) semaphore(%arg13 : memref<!tpu.dma_semaphore, #tpu.memory_space<semaphore_mem>>)
    %dma_start3A_7 = arith.constant 16 : i32
    %dma_start3A_8 = tpu.memref_slice %arg5[%dma_start3A_7] : memref<256xi32, #tpu.memory_space<vmem>> -> memref<16xi32, #tpu.memory_space<vmem>>
    %dma_start3A_9 = arith.constant 0 : i32
    %dma_start3A_10 = arith.constant 0 : i32
    %dma_start3A_11 = tpu.memref_slice %arg3[%dma_start3A_9, %dma_start3A_10] : memref<8192x1024xf32, #tpu.memory_space<hbm>> -> memref<8192x1024xf32, #tpu.memory_space<hbm>>
    tpu.enqueue_indirect_dma source(%dma_start3A_11 : memref<8192x1024xf32, #tpu.memory_space<hbm>>) target(%arg7 : memref<16x1024xf32, #tpu.memory_space<vmem>>) offsets(%dma_start3A_8 : memref<16xi32, #tpu.memory_space<vmem>>) semaphore(%arg14 : memref<!tpu.dma_semaphore, #tpu.memory_space<semaphore_mem>>)
    %dma_start3A_12 = arith.constant 32 : i32
    %dma_start3A_13 = tpu.memref_slice %arg5[%dma_start3A_12] : memref<256xi32, #tpu.memory_space<vmem>> -> memref<16xi32, #tpu.memory_space<vmem>>
    %dma_start3A_14 = arith.constant 0 : i32
    %dma_start3A_15 = arith.constant 0 : i32
    %dma_start3A_16 = tpu.memref_slice %arg3[%dma_start3A_14, %dma_start3A_15] : memref<8192x1024xf32, #tpu.memory_space<hbm>> -> memref<8192x1024xf32, #tpu.memory_space<hbm>>
    tpu.enqueue_indirect_dma source(%dma_start3A_16 : memref<8192x1024xf32, #tpu.memory_space<hbm>>) target(%arg8 : memref<16x1024xf32, #tpu.memory_space<vmem>>) offsets(%dma_start3A_13 : memref<16xi32, #tpu.memory_space<vmem>>) semaphore(%arg15 : memref<!tpu.dma_semaphore, #tpu.memory_space<semaphore_mem>>)
    %dma_start3A_17 = arith.constant 48 : i32
    %dma_start3A_18 = tpu.memref_slice %arg5[%dma_start3A_17] : memref<256xi32, #tpu.memory_space<vmem>> -> memref<16xi32, #tpu.memory_space<vmem>>
    %dma_start3A_19 = arith.constant 0 : i32
    %dma_start3A_20 = arith.constant 0 : i32
    %dma_start3A_21 = tpu.memref_slice %arg3[%dma_start3A_19, %dma_start3A_20] : memref<8192x1024xf32, #tpu.memory_space<hbm>> -> memref<8192x1024xf32, #tpu.memory_space<hbm>>
    tpu.enqueue_indirect_dma source(%dma_start3A_21 : memref<8192x1024xf32, #tpu.memory_space<hbm>>) target(%arg9 : memref<16x1024xf32, #tpu.memory_space<vmem>>) offsets(%dma_start3A_18 : memref<16xi32, #tpu.memory_space<vmem>>) semaphore(%arg16 : memref<!tpu.dma_semaphore, #tpu.memory_space<semaphore_mem>>)
    %dma_start3A_22 = arith.constant 64 : i32
    %dma_start3A_23 = tpu.memref_slice %arg5[%dma_start3A_22] : memref<256xi32, #tpu.memory_space<vmem>> -> memref<16xi32, #tpu.memory_space<vmem>>
    %dma_start3A_24 = arith.constant 0 : i32
    %dma_start3A_25 = arith.constant 0 : i32
    %dma_start3A_26 = tpu.memref_slice %arg3[%dma_start3A_24, %dma_start3A_25] : memref<8192x1024xf32, #tpu.memory_space<hbm>> -> memref<8192x1024xf32, #tpu.memory_space<hbm>>
    tpu.enqueue_indirect_dma source(%dma_start3A_26 : memref<8192x1024xf32, #tpu.memory_space<hbm>>) target(%arg10 : memref<16x1024xf32, #tpu.memory_space<vmem>>) offsets(%dma_start3A_23 : memref<16xi32, #tpu.memory_space<vmem>>) semaphore(%arg17 : memref<!tpu.dma_semaphore, #tpu.memory_space<semaphore_mem>>)
    %dma_start3A_27 = arith.constant 80 : i32
    %dma_start3A_28 = tpu.memref_slice %arg5[%dma_start3A_27] : memref<256xi32, #tpu.memory_space<vmem>> -> memref<16xi32, #tpu.memory_space<vmem>>
    %dma_start3A_29 = arith.constant 0 : i32
    %dma_start3A_30 = arith.constant 0 : i32
    %dma_start3A_31 = tpu.memref_slice %arg3[%dma_start3A_29, %dma_start3A_30] : memref<8192x1024xf32, #tpu.memory_space<hbm>> -> memref<8192x1024xf32, #tpu.memory_space<hbm>>
    tpu.enqueue_indirect_dma source(%dma_start3A_31 : memref<8192x1024xf32, #tpu.memory_space<hbm>>) target(%arg11 : memref<16x1024xf32, #tpu.memory_space<vmem>>) offsets(%dma_start3A_28 : memref<16xi32, #tpu.memory_space<vmem>>) semaphore(%arg18 : memref<!tpu.dma_semaphore, #tpu.memory_space<semaphore_mem>>)
    %dma_wait3A = arith.constant 0 : i32
    %dma_wait3A_32 = tpu.memref_slice %arg5[%dma_wait3A] : memref<256xi32, #tpu.memory_space<vmem>> -> memref<16xi32, #tpu.memory_space<vmem>>
    %dma_wait3A_33 = arith.constant 0 : i32
    %dma_wait3A_34 = arith.constant 0 : i32
    %dma_wait3A_35 = tpu.memref_slice %arg3[%dma_wait3A_33, %dma_wait3A_34] : memref<8192x1024xf32, #tpu.memory_space<hbm>> -> memref<8192x1024xf32, #tpu.memory_space<hbm>>
    tpu.wait_indirect_dma semaphore(%arg13 : memref<!tpu.dma_semaphore, #tpu.memory_space<semaphore_mem>>) src(%dma_wait3A_35 : memref<8192x1024xf32, #tpu.memory_space<hbm>>) dst(%arg6 : memref<16x1024xf32, #tpu.memory_space<vmem>>)
    %add3A_36 = arith.constant 0 : i32
    %add3A_37 = arith.addi %mul3A_2, %add3A_36 : i32
    %dma_start3A_38 = arith.constant 0 : i32
    %dma_start3A_39 = tpu.memref_slice %arg4[%add3A_37, %dma_start3A_38] : memref<8192x1024xf32, #tpu.memory_space<hbm>> -> memref<16x1024xf32, #tpu.memory_space<hbm>>
    %dma_start3A_40 = arith.constant 0 : i32
    %dma_start3A_41 = tpu.memref_slice %arg4[%add3A_37, %dma_start3A_40] : memref<8192x1024xf32, #tpu.memory_space<hbm>> -> memref<16x1024xf32, #tpu.memory_space<hbm>>
    tpu.enqueue_dma source(%arg6 : memref<16x1024xf32, #tpu.memory_space<vmem>>) target(%dma_start3A_41 : memref<16x1024xf32, #tpu.memory_space<hbm>>) target_semaphore(%arg20 : memref<!tpu.dma_semaphore, #tpu.memory_space<semaphore_mem>>)
    %dma_start3A_42 = arith.constant 96 : i32
    %dma_start3A_43 = tpu.memref_slice %arg5[%dma_start3A_42] : memref<256xi32, #tpu.memory_space<vmem>> -> memref<16xi32, #tpu.memory_space<vmem>>
    %dma_start3A_44 = arith.constant 0 : i32
    %dma_start3A_45 = arith.constant 0 : i32
    %dma_start3A_46 = tpu.memref_slice %arg3[%dma_start3A_44, %dma_start3A_45] : memref<8192x1024xf32, #tpu.memory_space<hbm>> -> memref<8192x1024xf32, #tpu.memory_space<hbm>>
    tpu.enqueue_indirect_dma source(%dma_start3A_46 : memref<8192x1024xf32, #tpu.memory_space<hbm>>) target(%arg12 : memref<16x1024xf32, #tpu.memory_space<vmem>>) offsets(%dma_start3A_43 : memref<16xi32, #tpu.memory_space<vmem>>) semaphore(%arg19 : memref<!tpu.dma_semaphore, #tpu.memory_space<semaphore_mem>>)
    %dma_wait3A_47 = arith.constant 16 : i32
    %dma_wait3A_48 = tpu.memref_slice %arg5[%dma_wait3A_47] : memref<256xi32, #tpu.memory_space<vmem>> -> memref<16xi32, #tpu.memory_space<vmem>>
    %dma_wait3A_49 = arith.constant 0 : i32
    %dma_wait3A_50 = arith.constant 0 : i32
    %dma_wait3A_51 = tpu.memref_slice %arg3[%dma_wait3A_49, %dma_wait3A_50] : memref<8192x1024xf32, #tpu.memory_space<hbm>> -> memref<8192x1024xf32, #tpu.memory_space<hbm>>
    tpu.wait_indirect_dma semaphore(%arg14 : memref<!tpu.dma_semaphore, #tpu.memory_space<semaphore_mem>>) src(%dma_wait3A_51 : memref<8192x1024xf32, #tpu.memory_space<hbm>>) dst(%arg7 : memref<16x1024xf32, #tpu.memory_space<vmem>>)
    %add3A_52 = arith.constant 16 : i32
    %add3A_53 = arith.addi %mul3A_2, %add3A_52 : i32
    %dma_start3A_54 = arith.constant 0 : i32
    %dma_start3A_55 = tpu.memref_slice %arg4[%add3A_53, %dma_start3A_54] : memref<8192x1024xf32, #tpu.memory_space<hbm>> -> memref<16x1024xf32, #tpu.memory_space<hbm>>
    %dma_start3A_56 = arith.constant 0 : i32
    %dma_start3A_57 = tpu.memref_slice %arg4[%add3A_53, %dma_start3A_56] : memref<8192x1024xf32, #tpu.memory_space<hbm>> -> memref<16x1024xf32, #tpu.memory_space<hbm>>
    tpu.enqueue_dma source(%arg7 : memref<16x1024xf32, #tpu.memory_space<vmem>>) target(%dma_start3A_57 : memref<16x1024xf32, #tpu.memory_space<hbm>>) target_semaphore(%arg21 : memref<!tpu.dma_semaphore, #tpu.memory_space<semaphore_mem>>)
    %dma_wait3A_58 = arith.constant 0 : i32
    %dma_wait3A_59 = tpu.memref_slice %arg4[%add3A_37, %dma_wait3A_58] : memref<8192x1024xf32, #tpu.memory_space<hbm>> -> memref<16x1024xf32, #tpu.memory_space<hbm>>
    %dma_wait3A_60 = arith.constant 0 : i32
    %dma_wait3A_61 = tpu.memref_slice %arg4[%add3A_37, %dma_wait3A_60] : memref<8192x1024xf32, #tpu.memory_space<hbm>> -> memref<16x1024xf32, #tpu.memory_space<hbm>>
    tpu.wait_dma2 semaphore(%arg20 : memref<!tpu.dma_semaphore, #tpu.memory_space<semaphore_mem>>) src(%arg6 : memref<16x1024xf32, #tpu.memory_space<vmem>>) dst(%dma_wait3A_61 : memref<16x1024xf32, #tpu.memory_space<hbm>>)
    %dma_start3A_62 = arith.constant 112 : i32
    %dma_start3A_63 = tpu.memref_slice %arg5[%dma_start3A_62] : memref<256xi32, #tpu.memory_space<vmem>> -> memref<16xi32, #tpu.memory_space<vmem>>
    %dma_start3A_64 = arith.constant 0 : i32
    %dma_start3A_65 = arith.constant 0 : i32
    %dma_start3A_66 = tpu.memref_slice %arg3[%dma_start3A_64, %dma_start3A_65] : memref<8192x1024xf32, #tpu.memory_space<hbm>> -> memref<8192x1024xf32, #tpu.memory_space<hbm>>
    tpu.enqueue_indirect_dma source(%dma_start3A_66 : memref<8192x1024xf32, #tpu.memory_space<hbm>>) target(%arg6 : memref<16x1024xf32, #tpu.memory_space<vmem>>) offsets(%dma_start3A_63 : memref<16xi32, #tpu.memory_space<vmem>>) semaphore(%arg13 : memref<!tpu.dma_semaphore, #tpu.memory_space<semaphore_mem>>)
    %dma_wait3A_67 = arith.constant 32 : i32
    %dma_wait3A_68 = tpu.memref_slice %arg5[%dma_wait3A_67] : memref<256xi32, #tpu.memory_space<vmem>> -> memref<16xi32, #tpu.memory_space<vmem>>
    %dma_wait3A_69 = arith.constant 0 : i32
    %dma_wait3A_70 = arith.constant 0 : i32
    %dma_wait3A_71 = tpu.memref_slice %arg3[%dma_wait3A_69, %dma_wait3A_70] : memref<8192x1024xf32, #tpu.memory_space<hbm>> -> memref<8192x1024xf32, #tpu.memory_space<hbm>>
    tpu.wait_indirect_dma semaphore(%arg15 : memref<!tpu.dma_semaphore, #tpu.memory_space<semaphore_mem>>) src(%dma_wait3A_71 : memref<8192x1024xf32, #tpu.memory_space<hbm>>) dst(%arg8 : memref<16x1024xf32, #tpu.memory_space<vmem>>)
    %add3A_72 = arith.constant 32 : i32
    %add3A_73 = arith.addi %mul3A_2, %add3A_72 : i32
    %dma_start3A_74 = arith.constant 0 : i32
    %dma_start3A_75 = tpu.memref_slice %arg4[%add3A_73, %dma_start3A_74] : memref<8192x1024xf32, #tpu.memory_space<hbm>> -> memref<16x1024xf32, #tpu.memory_space<hbm>>
    %dma_start3A_76 = arith.constant 0 : i32
    %dma_start3A_77 = tpu.memref_slice %arg4[%add3A_73, %dma_start3A_76] : memref<8192x1024xf32, #tpu.memory_space<hbm>> -> memref<16x1024xf32, #tpu.memory_space<hbm>>
    tpu.enqueue_dma source(%arg8 : memref<16x1024xf32, #tpu.memory_space<vmem>>) target(%dma_start3A_77 : memref<16x1024xf32, #tpu.memory_space<hbm>>) target_semaphore(%arg22 : memref<!tpu.dma_semaphore, #tpu.memory_space<semaphore_mem>>)
    %dma_wait3A_78 = arith.constant 0 : i32
    %dma_wait3A_79 = tpu.memref_slice %arg4[%add3A_53, %dma_wait3A_78] : memref<8192x1024xf32, #tpu.memory_space<hbm>> -> memref<16x1024xf32, #tpu.memory_space<hbm>>
    %dma_wait3A_80 = arith.constant 0 : i32
    %dma_wait3A_81 = tpu.memref_slice %arg4[%add3A_53, %dma_wait3A_80] : memref<8192x1024xf32, #tpu.memory_space<hbm>> -> memref<16x1024xf32, #tpu.memory_space<hbm>>
    tpu.wait_dma2 semaphore(%arg21 : memref<!tpu.dma_semaphore, #tpu.memory_space<semaphore_mem>>) src(%arg7 : memref<16x1024xf32, #tpu.memory_space<vmem>>) dst(%dma_wait3A_81 : memref<16x1024xf32, #tpu.memory_space<hbm>>)
    %dma_start3A_82 = arith.constant 128 : i32
    %dma_start3A_83 = tpu.memref_slice %arg5[%dma_start3A_82] : memref<256xi32, #tpu.memory_space<vmem>> -> memref<16xi32, #tpu.memory_space<vmem>>
    %dma_start3A_84 = arith.constant 0 : i32
    %dma_start3A_85 = arith.constant 0 : i32
    %dma_start3A_86 = tpu.memref_slice %arg3[%dma_start3A_84, %dma_start3A_85] : memref<8192x1024xf32, #tpu.memory_space<hbm>> -> memref<8192x1024xf32, #tpu.memory_space<hbm>>
    tpu.enqueue_indirect_dma source(%dma_start3A_86 : memref<8192x1024xf32, #tpu.memory_space<hbm>>) target(%arg7 : memref<16x1024xf32, #tpu.memory_space<vmem>>) offsets(%dma_start3A_83 : memref<16xi32, #tpu.memory_space<vmem>>) semaphore(%arg14 : memref<!tpu.dma_semaphore, #tpu.memory_space<semaphore_mem>>)
    %dma_wait3A_87 = arith.constant 48 : i32
    %dma_wait3A_88 = tpu.memref_slice %arg5[%dma_wait3A_87] : memref<256xi32, #tpu.memory_space<vmem>> -> memref<16xi32, #tpu.memory_space<vmem>>
    %dma_wait3A_89 = arith.constant 0 : i32
    %dma_wait3A_90 = arith.constant 0 : i32
    %dma_wait3A_91 = tpu.memref_slice %arg3[%dma_wait3A_89, %dma_wait3A_90] : memref<8192x1024xf32, #tpu.memory_space<hbm>> -> memref<8192x1024xf32, #tpu.memory_space<hbm>>
    tpu.wait_indirect_dma semaphore(%arg16 : memref<!tpu.dma_semaphore, #tpu.memory_space<semaphore_mem>>) src(%dma_wait3A_91 : memref<8192x1024xf32, #tpu.memory_space<hbm>>) dst(%arg9 : memref<16x1024xf32, #tpu.memory_space<vmem>>)
    %add3A_92 = arith.constant 48 : i32
    %add3A_93 = arith.addi %mul3A_2, %add3A_92 : i32
    %dma_start3A_94 = arith.constant 0 : i32
    %dma_start3A_95 = tpu.memref_slice %arg4[%add3A_93, %dma_start3A_94] : memref<8192x1024xf32, #tpu.memory_space<hbm>> -> memref<16x1024xf32, #tpu.memory_space<hbm>>
    %dma_start3A_96 = arith.constant 0 : i32
    %dma_start3A_97 = tpu.memref_slice %arg4[%add3A_93, %dma_start3A_96] : memref<8192x1024xf32, #tpu.memory_space<hbm>> -> memref<16x1024xf32, #tpu.memory_space<hbm>>
    tpu.enqueue_dma source(%arg9 : memref<16x1024xf32, #tpu.memory_space<vmem>>) target(%dma_start3A_97 : memref<16x1024xf32, #tpu.memory_space<hbm>>) target_semaphore(%arg23 : memref<!tpu.dma_semaphore, #tpu.memory_space<semaphore_mem>>)
    %dma_wait3A_98 = arith.constant 0 : i32
    %dma_wait3A_99 = tpu.memref_slice %arg4[%add3A_73, %dma_wait3A_98] : memref<8192x1024xf32, #tpu.memory_space<hbm>> -> memref<16x1024xf32, #tpu.memory_space<hbm>>
    %dma_wait3A_100 = arith.constant 0 : i32
    %dma_wait3A_101 = tpu.memref_slice %arg4[%add3A_73, %dma_wait3A_100] : memref<8192x1024xf32, #tpu.memory_space<hbm>> -> memref<16x1024xf32, #tpu.memory_space<hbm>>
    tpu.wait_dma2 semaphore(%arg22 : memref<!tpu.dma_semaphore, #tpu.memory_space<semaphore_mem>>) src(%arg8 : memref<16x1024xf32, #tpu.memory_space<vmem>>) dst(%dma_wait3A_101 : memref<16x1024xf32, #tpu.memory_space<hbm>>)
    %dma_start3A_102 = arith.constant 144 : i32
    %dma_start3A_103 = tpu.memref_slice %arg5[%dma_start3A_102] : memref<256xi32, #tpu.memory_space<vmem>> -> memref<16xi32, #tpu.memory_space<vmem>>
    %dma_start3A_104 = arith.constant 0 : i32
    %dma_start3A_105 = arith.constant 0 : i32
    %dma_start3A_106 = tpu.memref_slice %arg3[%dma_start3A_104, %dma_start3A_105] : memref<8192x1024xf32, #tpu.memory_space<hbm>> -> memref<8192x1024xf32, #tpu.memory_space<hbm>>
    tpu.enqueue_indirect_dma source(%dma_start3A_106 : memref<8192x1024xf32, #tpu.memory_space<hbm>>) target(%arg8 : memref<16x1024xf32, #tpu.memory_space<vmem>>) offsets(%dma_start3A_103 : memref<16xi32, #tpu.memory_space<vmem>>) semaphore(%arg15 : memref<!tpu.dma_semaphore, #tpu.memory_space<semaphore_mem>>)
    %dma_wait3A_107 = arith.constant 64 : i32
    %dma_wait3A_108 = tpu.memref_slice %arg5[%dma_wait3A_107] : memref<256xi32, #tpu.memory_space<vmem>> -> memref<16xi32, #tpu.memory_space<vmem>>
    %dma_wait3A_109 = arith.constant 0 : i32
    %dma_wait3A_110 = arith.constant 0 : i32
    %dma_wait3A_111 = tpu.memref_slice %arg3[%dma_wait3A_109, %dma_wait3A_110] : memref<8192x1024xf32, #tpu.memory_space<hbm>> -> memref<8192x1024xf32, #tpu.memory_space<hbm>>
    tpu.wait_indirect_dma semaphore(%arg17 : memref<!tpu.dma_semaphore, #tpu.memory_space<semaphore_mem>>) src(%dma_wait3A_111 : memref<8192x1024xf32, #tpu.memory_space<hbm>>) dst(%arg10 : memref<16x1024xf32, #tpu.memory_space<vmem>>)
    %add3A_112 = arith.constant 64 : i32
    %add3A_113 = arith.addi %mul3A_2, %add3A_112 : i32
    %dma_start3A_114 = arith.constant 0 : i32
    %dma_start3A_115 = tpu.memref_slice %arg4[%add3A_113, %dma_start3A_114] : memref<8192x1024xf32, #tpu.memory_space<hbm>> -> memref<16x1024xf32, #tpu.memory_space<hbm>>
    %dma_start3A_116 = arith.constant 0 : i32
    %dma_start3A_117 = tpu.memref_slice %arg4[%add3A_113, %dma_start3A_116] : memref<8192x1024xf32, #tpu.memory_space<hbm>> -> memref<16x1024xf32, #tpu.memory_space<hbm>>
    tpu.enqueue_dma source(%arg10 : memref<16x1024xf32, #tpu.memory_space<vmem>>) target(%dma_start3A_117 : memref<16x1024xf32, #tpu.memory_space<hbm>>) target_semaphore(%arg24 : memref<!tpu.dma_semaphore, #tpu.memory_space<semaphore_mem>>)
    %dma_wait3A_118 = arith.constant 0 : i32
    %dma_wait3A_119 = tpu.memref_slice %arg4[%add3A_93, %dma_wait3A_118] : memref<8192x1024xf32, #tpu.memory_space<hbm>> -> memref<16x1024xf32, #tpu.memory_space<hbm>>
    %dma_wait3A_120 = arith.constant 0 : i32
    %dma_wait3A_121 = tpu.memref_slice %arg4[%add3A_93, %dma_wait3A_120] : memref<8192x1024xf32, #tpu.memory_space<hbm>> -> memref<16x1024xf32, #tpu.memory_space<hbm>>
    tpu.wait_dma2 semaphore(%arg23 : memref<!tpu.dma_semaphore, #tpu.memory_space<semaphore_mem>>) src(%arg9 : memref<16x1024xf32, #tpu.memory_space<vmem>>) dst(%dma_wait3A_121 : memref<16x1024xf32, #tpu.memory_space<hbm>>)
    %dma_start3A_122 = arith.constant 160 : i32
    %dma_start3A_123 = tpu.memref_slice %arg5[%dma_start3A_122] : memref<256xi32, #tpu.memory_space<vmem>> -> memref<16xi32, #tpu.memory_space<vmem>>
    %dma_start3A_124 = arith.constant 0 : i32
    %dma_start3A_125 = arith.constant 0 : i32
    %dma_start3A_126 = tpu.memref_slice %arg3[%dma_start3A_124, %dma_start3A_125] : memref<8192x1024xf32, #tpu.memory_space<hbm>> -> memref<8192x1024xf32, #tpu.memory_space<hbm>>
    tpu.enqueue_indirect_dma source(%dma_start3A_126 : memref<8192x1024xf32, #tpu.memory_space<hbm>>) target(%arg9 : memref<16x1024xf32, #tpu.memory_space<vmem>>) offsets(%dma_start3A_123 : memref<16xi32, #tpu.memory_space<vmem>>) semaphore(%arg16 : memref<!tpu.dma_semaphore, #tpu.memory_space<semaphore_mem>>)
    %dma_wait3A_127 = arith.constant 80 : i32
    %dma_wait3A_128 = tpu.memref_slice %arg5[%dma_wait3A_127] : memref<256xi32, #tpu.memory_space<vmem>> -> memref<16xi32, #tpu.memory_space<vmem>>
    %dma_wait3A_129 = arith.constant 0 : i32
    %dma_wait3A_130 = arith.constant 0 : i32
    %dma_wait3A_131 = tpu.memref_slice %arg3[%dma_wait3A_129, %dma_wait3A_130] : memref<8192x1024xf32, #tpu.memory_space<hbm>> -> memref<8192x1024xf32, #tpu.memory_space<hbm>>
    tpu.wait_indirect_dma semaphore(%arg18 : memref<!tpu.dma_semaphore, #tpu.memory_space<semaphore_mem>>) src(%dma_wait3A_131 : memref<8192x1024xf32, #tpu.memory_space<hbm>>) dst(%arg11 : memref<16x1024xf32, #tpu.memory_space<vmem>>)
    %add3A_132 = arith.constant 80 : i32
    %add3A_133 = arith.addi %mul3A_2, %add3A_132 : i32
    %dma_start3A_134 = arith.constant 0 : i32
    %dma_start3A_135 = tpu.memref_slice %arg4[%add3A_133, %dma_start3A_134] : memref<8192x1024xf32, #tpu.memory_space<hbm>> -> memref<16x1024xf32, #tpu.memory_space<hbm>>
    %dma_start3A_136 = arith.constant 0 : i32
    %dma_start3A_137 = tpu.memref_slice %arg4[%add3A_133, %dma_start3A_136] : memref<8192x1024xf32, #tpu.memory_space<hbm>> -> memref<16x1024xf32, #tpu.memory_space<hbm>>
    tpu.enqueue_dma source(%arg11 : memref<16x1024xf32, #tpu.memory_space<vmem>>) target(%dma_start3A_137 : memref<16x1024xf32, #tpu.memory_space<hbm>>) target_semaphore(%arg25 : memref<!tpu.dma_semaphore, #tpu.memory_space<semaphore_mem>>)
    %dma_wait3A_138 = arith.constant 0 : i32
    %dma_wait3A_139 = tpu.memref_slice %arg4[%add3A_113, %dma_wait3A_138] : memref<8192x1024xf32, #tpu.memory_space<hbm>> -> memref<16x1024xf32, #tpu.memory_space<hbm>>
    %dma_wait3A_140 = arith.constant 0 : i32
    %dma_wait3A_141 = tpu.memref_slice %arg4[%add3A_113, %dma_wait3A_140] : memref<8192x1024xf32, #tpu.memory_space<hbm>> -> memref<16x1024xf32, #tpu.memory_space<hbm>>
    tpu.wait_dma2 semaphore(%arg24 : memref<!tpu.dma_semaphore, #tpu.memory_space<semaphore_mem>>) src(%arg10 : memref<16x1024xf32, #tpu.memory_space<vmem>>) dst(%dma_wait3A_141 : memref<16x1024xf32, #tpu.memory_space<hbm>>)
    %dma_start3A_142 = arith.constant 176 : i32
    %dma_start3A_143 = tpu.memref_slice %arg5[%dma_start3A_142] : memref<256xi32, #tpu.memory_space<vmem>> -> memref<16xi32, #tpu.memory_space<vmem>>
    %dma_start3A_144 = arith.constant 0 : i32
    %dma_start3A_145 = arith.constant 0 : i32
    %dma_start3A_146 = tpu.memref_slice %arg3[%dma_start3A_144, %dma_start3A_145] : memref<8192x1024xf32, #tpu.memory_space<hbm>> -> memref<8192x1024xf32, #tpu.memory_space<hbm>>
    tpu.enqueue_indirect_dma source(%dma_start3A_146 : memref<8192x1024xf32, #tpu.memory_space<hbm>>) target(%arg10 : memref<16x1024xf32, #tpu.memory_space<vmem>>) offsets(%dma_start3A_143 : memref<16xi32, #tpu.memory_space<vmem>>) semaphore(%arg17 : memref<!tpu.dma_semaphore, #tpu.memory_space<semaphore_mem>>)
    %dma_wait3A_147 = arith.constant 96 : i32
    %dma_wait3A_148 = tpu.memref_slice %arg5[%dma_wait3A_147] : memref<256xi32, #tpu.memory_space<vmem>> -> memref<16xi32, #tpu.memory_space<vmem>>
    %dma_wait3A_149 = arith.constant 0 : i32
    %dma_wait3A_150 = arith.constant 0 : i32
    %dma_wait3A_151 = tpu.memref_slice %arg3[%dma_wait3A_149, %dma_wait3A_150] : memref<8192x1024xf32, #tpu.memory_space<hbm>> -> memref<8192x1024xf32, #tpu.memory_space<hbm>>
    tpu.wait_indirect_dma semaphore(%arg19 : memref<!tpu.dma_semaphore, #tpu.memory_space<semaphore_mem>>) src(%dma_wait3A_151 : memref<8192x1024xf32, #tpu.memory_space<hbm>>) dst(%arg12 : memref<16x1024xf32, #tpu.memory_space<vmem>>)
    %add3A_152 = arith.constant 96 : i32
    %add3A_153 = arith.addi %mul3A_2, %add3A_152 : i32
    %dma_start3A_154 = arith.constant 0 : i32
    %dma_start3A_155 = tpu.memref_slice %arg4[%add3A_153, %dma_start3A_154] : memref<8192x1024xf32, #tpu.memory_space<hbm>> -> memref<16x1024xf32, #tpu.memory_space<hbm>>
    %dma_start3A_156 = arith.constant 0 : i32
    %dma_start3A_157 = tpu.memref_slice %arg4[%add3A_153, %dma_start3A_156] : memref<8192x1024xf32, #tpu.memory_space<hbm>> -> memref<16x1024xf32, #tpu.memory_space<hbm>>
    tpu.enqueue_dma source(%arg12 : memref<16x1024xf32, #tpu.memory_space<vmem>>) target(%dma_start3A_157 : memref<16x1024xf32, #tpu.memory_space<hbm>>) target_semaphore(%arg26 : memref<!tpu.dma_semaphore, #tpu.memory_space<semaphore_mem>>)
    %dma_wait3A_158 = arith.constant 0 : i32
    %dma_wait3A_159 = tpu.memref_slice %arg4[%add3A_133, %dma_wait3A_158] : memref<8192x1024xf32, #tpu.memory_space<hbm>> -> memref<16x1024xf32, #tpu.memory_space<hbm>>
    %dma_wait3A_160 = arith.constant 0 : i32
    %dma_wait3A_161 = tpu.memref_slice %arg4[%add3A_133, %dma_wait3A_160] : memref<8192x1024xf32, #tpu.memory_space<hbm>> -> memref<16x1024xf32, #tpu.memory_space<hbm>>
    tpu.wait_dma2 semaphore(%arg25 : memref<!tpu.dma_semaphore, #tpu.memory_space<semaphore_mem>>) src(%arg11 : memref<16x1024xf32, #tpu.memory_space<vmem>>) dst(%dma_wait3A_161 : memref<16x1024xf32, #tpu.memory_space<hbm>>)
    %dma_start3A_162 = arith.constant 192 : i32
    %dma_start3A_163 = tpu.memref_slice %arg5[%dma_start3A_162] : memref<256xi32, #tpu.memory_space<vmem>> -> memref<16xi32, #tpu.memory_space<vmem>>
    %dma_start3A_164 = arith.constant 0 : i32
    %dma_start3A_165 = arith.constant 0 : i32
    %dma_start3A_166 = tpu.memref_slice %arg3[%dma_start3A_164, %dma_start3A_165] : memref<8192x1024xf32, #tpu.memory_space<hbm>> -> memref<8192x1024xf32, #tpu.memory_space<hbm>>
    tpu.enqueue_indirect_dma source(%dma_start3A_166 : memref<8192x1024xf32, #tpu.memory_space<hbm>>) target(%arg11 : memref<16x1024xf32, #tpu.memory_space<vmem>>) offsets(%dma_start3A_163 : memref<16xi32, #tpu.memory_space<vmem>>) semaphore(%arg18 : memref<!tpu.dma_semaphore, #tpu.memory_space<semaphore_mem>>)
    %dma_wait3A_167 = arith.constant 112 : i32
    %dma_wait3A_168 = tpu.memref_slice %arg5[%dma_wait3A_167] : memref<256xi32, #tpu.memory_space<vmem>> -> memref<16xi32, #tpu.memory_space<vmem>>
    %dma_wait3A_169 = arith.constant 0 : i32
    %dma_wait3A_170 = arith.constant 0 : i32
    %dma_wait3A_171 = tpu.memref_slice %arg3[%dma_wait3A_169, %dma_wait3A_170] : memref<8192x1024xf32, #tpu.memory_space<hbm>> -> memref<8192x1024xf32, #tpu.memory_space<hbm>>
    tpu.wait_indirect_dma semaphore(%arg13 : memref<!tpu.dma_semaphore, #tpu.memory_space<semaphore_mem>>) src(%dma_wait3A_171 : memref<8192x1024xf32, #tpu.memory_space<hbm>>) dst(%arg6 : memref<16x1024xf32, #tpu.memory_space<vmem>>)
    %add3A_172 = arith.constant 112 : i32
    %add3A_173 = arith.addi %mul3A_2, %add3A_172 : i32
    %dma_start3A_174 = arith.constant 0 : i32
    %dma_start3A_175 = tpu.memref_slice %arg4[%add3A_173, %dma_start3A_174] : memref<8192x1024xf32, #tpu.memory_space<hbm>> -> memref<16x1024xf32, #tpu.memory_space<hbm>>
    %dma_start3A_176 = arith.constant 0 : i32
    %dma_start3A_177 = tpu.memref_slice %arg4[%add3A_173, %dma_start3A_176] : memref<8192x1024xf32, #tpu.memory_space<hbm>> -> memref<16x1024xf32, #tpu.memory_space<hbm>>
    tpu.enqueue_dma source(%arg6 : memref<16x1024xf32, #tpu.memory_space<vmem>>) target(%dma_start3A_177 : memref<16x1024xf32, #tpu.memory_space<hbm>>) target_semaphore(%arg20 : memref<!tpu.dma_semaphore, #tpu.memory_space<semaphore_mem>>)
    %dma_wait3A_178 = arith.constant 0 : i32
    %dma_wait3A_179 = tpu.memref_slice %arg4[%add3A_153, %dma_wait3A_178] : memref<8192x1024xf32, #tpu.memory_space<hbm>> -> memref<16x1024xf32, #tpu.memory_space<hbm>>
    %dma_wait3A_180 = arith.constant 0 : i32
    %dma_wait3A_181 = tpu.memref_slice %arg4[%add3A_153, %dma_wait3A_180] : memref<8192x1024xf32, #tpu.memory_space<hbm>> -> memref<16x1024xf32, #tpu.memory_space<hbm>>
    tpu.wait_dma2 semaphore(%arg26 : memref<!tpu.dma_semaphore, #tpu.memory_space<semaphore_mem>>) src(%arg12 : memref<16x1024xf32, #tpu.memory_space<vmem>>) dst(%dma_wait3A_181 : memref<16x1024xf32, #tpu.memory_space<hbm>>)
    %dma_start3A_182 = arith.constant 208 : i32
    %dma_start3A_183 = tpu.memref_slice %arg5[%dma_start3A_182] : memref<256xi32, #tpu.memory_space<vmem>> -> memref<16xi32, #tpu.memory_space<vmem>>
    %dma_start3A_184 = arith.constant 0 : i32
    %dma_start3A_185 = arith.constant 0 : i32
    %dma_start3A_186 = tpu.memref_slice %arg3[%dma_start3A_184, %dma_start3A_185] : memref<8192x1024xf32, #tpu.memory_space<hbm>> -> memref<8192x1024xf32, #tpu.memory_space<hbm>>
    tpu.enqueue_indirect_dma source(%dma_start3A_186 : memref<8192x1024xf32, #tpu.memory_space<hbm>>) target(%arg12 : memref<16x1024xf32, #tpu.memory_space<vmem>>) offsets(%dma_start3A_183 : memref<16xi32, #tpu.memory_space<vmem>>) semaphore(%arg19 : memref<!tpu.dma_semaphore, #tpu.memory_space<semaphore_mem>>)
    %dma_wait3A_187 = arith.constant 128 : i32
    %dma_wait3A_188 = tpu.memref_slice %arg5[%dma_wait3A_187] : memref<256xi32, #tpu.memory_space<vmem>> -> memref<16xi32, #tpu.memory_space<vmem>>
    %dma_wait3A_189 = arith.constant 0 : i32
    %dma_wait3A_190 = arith.constant 0 : i32
    %dma_wait3A_191 = tpu.memref_slice %arg3[%dma_wait3A_189, %dma_wait3A_190] : memref<8192x1024xf32, #tpu.memory_space<hbm>> -> memref<8192x1024xf32, #tpu.memory_space<hbm>>
    tpu.wait_indirect_dma semaphore(%arg14 : memref<!tpu.dma_semaphore, #tpu.memory_space<semaphore_mem>>) src(%dma_wait3A_191 : memref<8192x1024xf32, #tpu.memory_space<hbm>>) dst(%arg7 : memref<16x1024xf32, #tpu.memory_space<vmem>>)
    %add3A_192 = arith.constant 128 : i32
    %add3A_193 = arith.addi %mul3A_2, %add3A_192 : i32
    %dma_start3A_194 = arith.constant 0 : i32
    %dma_start3A_195 = tpu.memref_slice %arg4[%add3A_193, %dma_start3A_194] : memref<8192x1024xf32, #tpu.memory_space<hbm>> -> memref<16x1024xf32, #tpu.memory_space<hbm>>
    %dma_start3A_196 = arith.constant 0 : i32
    %dma_start3A_197 = tpu.memref_slice %arg4[%add3A_193, %dma_start3A_196] : memref<8192x1024xf32, #tpu.memory_space<hbm>> -> memref<16x1024xf32, #tpu.memory_space<hbm>>
    tpu.enqueue_dma source(%arg7 : memref<16x1024xf32, #tpu.memory_space<vmem>>) target(%dma_start3A_197 : memref<16x1024xf32, #tpu.memory_space<hbm>>) target_semaphore(%arg21 : memref<!tpu.dma_semaphore, #tpu.memory_space<semaphore_mem>>)
    %dma_wait3A_198 = arith.constant 0 : i32
    %dma_wait3A_199 = tpu.memref_slice %arg4[%add3A_173, %dma_wait3A_198] : memref<8192x1024xf32, #tpu.memory_space<hbm>> -> memref<16x1024xf32, #tpu.memory_space<hbm>>
    %dma_wait3A_200 = arith.constant 0 : i32
    %dma_wait3A_201 = tpu.memref_slice %arg4[%add3A_173, %dma_wait3A_200] : memref<8192x1024xf32, #tpu.memory_space<hbm>> -> memref<16x1024xf32, #tpu.memory_space<hbm>>
    tpu.wait_dma2 semaphore(%arg20 : memref<!tpu.dma_semaphore, #tpu.memory_space<semaphore_mem>>) src(%arg6 : memref<16x1024xf32, #tpu.memory_space<vmem>>) dst(%dma_wait3A_201 : memref<16x1024xf32, #tpu.memory_space<hbm>>)
    %dma_start3A_202 = arith.constant 224 : i32
    %dma_start3A_203 = tpu.memref_slice %arg5[%dma_start3A_202] : memref<256xi32, #tpu.memory_space<vmem>> -> memref<16xi32, #tpu.memory_space<vmem>>
    %dma_start3A_204 = arith.constant 0 : i32
    %dma_start3A_205 = arith.constant 0 : i32
    %dma_start3A_206 = tpu.memref_slice %arg3[%dma_start3A_204, %dma_start3A_205] : memref<8192x1024xf32, #tpu.memory_space<hbm>> -> memref<8192x1024xf32, #tpu.memory_space<hbm>>
    tpu.enqueue_indirect_dma source(%dma_start3A_206 : memref<8192x1024xf32, #tpu.memory_space<hbm>>) target(%arg6 : memref<16x1024xf32, #tpu.memory_space<vmem>>) offsets(%dma_start3A_203 : memref<16xi32, #tpu.memory_space<vmem>>) semaphore(%arg13 : memref<!tpu.dma_semaphore, #tpu.memory_space<semaphore_mem>>)
    %dma_wait3A_207 = arith.constant 144 : i32
    %dma_wait3A_208 = tpu.memref_slice %arg5[%dma_wait3A_207] : memref<256xi32, #tpu.memory_space<vmem>> -> memref<16xi32, #tpu.memory_space<vmem>>
    %dma_wait3A_209 = arith.constant 0 : i32
    %dma_wait3A_210 = arith.constant 0 : i32
    %dma_wait3A_211 = tpu.memref_slice %arg3[%dma_wait3A_209, %dma_wait3A_210] : memref<8192x1024xf32, #tpu.memory_space<hbm>> -> memref<8192x1024xf32, #tpu.memory_space<hbm>>
    tpu.wait_indirect_dma semaphore(%arg15 : memref<!tpu.dma_semaphore, #tpu.memory_space<semaphore_mem>>) src(%dma_wait3A_211 : memref<8192x1024xf32, #tpu.memory_space<hbm>>) dst(%arg8 : memref<16x1024xf32, #tpu.memory_space<vmem>>)
    %add3A_212 = arith.constant 144 : i32
    %add3A_213 = arith.addi %mul3A_2, %add3A_212 : i32
    %dma_start3A_214 = arith.constant 0 : i32
    %dma_start3A_215 = tpu.memref_slice %arg4[%add3A_213, %dma_start3A_214] : memref<8192x1024xf32, #tpu.memory_space<hbm>> -> memref<16x1024xf32, #tpu.memory_space<hbm>>
    %dma_start3A_216 = arith.constant 0 : i32
    %dma_start3A_217 = tpu.memref_slice %arg4[%add3A_213, %dma_start3A_216] : memref<8192x1024xf32, #tpu.memory_space<hbm>> -> memref<16x1024xf32, #tpu.memory_space<hbm>>
    tpu.enqueue_dma source(%arg8 : memref<16x1024xf32, #tpu.memory_space<vmem>>) target(%dma_start3A_217 : memref<16x1024xf32, #tpu.memory_space<hbm>>) target_semaphore(%arg22 : memref<!tpu.dma_semaphore, #tpu.memory_space<semaphore_mem>>)
    %dma_wait3A_218 = arith.constant 0 : i32
    %dma_wait3A_219 = tpu.memref_slice %arg4[%add3A_193, %dma_wait3A_218] : memref<8192x1024xf32, #tpu.memory_space<hbm>> -> memref<16x1024xf32, #tpu.memory_space<hbm>>
    %dma_wait3A_220 = arith.constant 0 : i32
    %dma_wait3A_221 = tpu.memref_slice %arg4[%add3A_193, %dma_wait3A_220] : memref<8192x1024xf32, #tpu.memory_space<hbm>> -> memref<16x1024xf32, #tpu.memory_space<hbm>>
    tpu.wait_dma2 semaphore(%arg21 : memref<!tpu.dma_semaphore, #tpu.memory_space<semaphore_mem>>) src(%arg7 : memref<16x1024xf32, #tpu.memory_space<vmem>>) dst(%dma_wait3A_221 : memref<16x1024xf32, #tpu.memory_space<hbm>>)
    %dma_start3A_222 = arith.constant 240 : i32
    %dma_start3A_223 = tpu.memref_slice %arg5[%dma_start3A_222] : memref<256xi32, #tpu.memory_space<vmem>> -> memref<16xi32, #tpu.memory_space<vmem>>
    %dma_start3A_224 = arith.constant 0 : i32
    %dma_start3A_225 = arith.constant 0 : i32
    %dma_start3A_226 = tpu.memref_slice %arg3[%dma_start3A_224, %dma_start3A_225] : memref<8192x1024xf32, #tpu.memory_space<hbm>> -> memref<8192x1024xf32, #tpu.memory_space<hbm>>
    tpu.enqueue_indirect_dma source(%dma_start3A_226 : memref<8192x1024xf32, #tpu.memory_space<hbm>>) target(%arg7 : memref<16x1024xf32, #tpu.memory_space<vmem>>) offsets(%dma_start3A_223 : memref<16xi32, #tpu.memory_space<vmem>>) semaphore(%arg14 : memref<!tpu.dma_semaphore, #tpu.memory_space<semaphore_mem>>)
    %dma_wait3A_227 = arith.constant 160 : i32
    %dma_wait3A_228 = tpu.memref_slice %arg5[%dma_wait3A_227] : memref<256xi32, #tpu.memory_space<vmem>> -> memref<16xi32, #tpu.memory_space<vmem>>
    %dma_wait3A_229 = arith.constant 0 : i32
    %dma_wait3A_230 = arith.constant 0 : i32
    %dma_wait3A_231 = tpu.memref_slice %arg3[%dma_wait3A_229, %dma_wait3A_230] : memref<8192x1024xf32, #tpu.memory_space<hbm>> -> memref<8192x1024xf32, #tpu.memory_space<hbm>>
    tpu.wait_indirect_dma semaphore(%arg16 : memref<!tpu.dma_semaphore, #tpu.memory_space<semaphore_mem>>) src(%dma_wait3A_231 : memref<8192x1024xf32, #tpu.memory_space<hbm>>) dst(%arg9 : memref<16x1024xf32, #tpu.memory_space<vmem>>)
    %add3A_232 = arith.constant 160 : i32
    %add3A_233 = arith.addi %mul3A_2, %add3A_232 : i32
    %dma_start3A_234 = arith.constant 0 : i32
    %dma_start3A_235 = tpu.memref_slice %arg4[%add3A_233, %dma_start3A_234] : memref<8192x1024xf32, #tpu.memory_space<hbm>> -> memref<16x1024xf32, #tpu.memory_space<hbm>>
    %dma_start3A_236 = arith.constant 0 : i32
    %dma_start3A_237 = tpu.memref_slice %arg4[%add3A_233, %dma_start3A_236] : memref<8192x1024xf32, #tpu.memory_space<hbm>> -> memref<16x1024xf32, #tpu.memory_space<hbm>>
    tpu.enqueue_dma source(%arg9 : memref<16x1024xf32, #tpu.memory_space<vmem>>) target(%dma_start3A_237 : memref<16x1024xf32, #tpu.memory_space<hbm>>) target_semaphore(%arg23 : memref<!tpu.dma_semaphore, #tpu.memory_space<semaphore_mem>>)
    %dma_wait3A_238 = arith.constant 176 : i32
    %dma_wait3A_239 = tpu.memref_slice %arg5[%dma_wait3A_238] : memref<256xi32, #tpu.memory_space<vmem>> -> memref<16xi32, #tpu.memory_space<vmem>>
    %dma_wait3A_240 = arith.constant 0 : i32
    %dma_wait3A_241 = arith.constant 0 : i32
    %dma_wait3A_242 = tpu.memref_slice %arg3[%dma_wait3A_240, %dma_wait3A_241] : memref<8192x1024xf32, #tpu.memory_space<hbm>> -> memref<8192x1024xf32, #tpu.memory_space<hbm>>
    tpu.wait_indirect_dma semaphore(%arg17 : memref<!tpu.dma_semaphore, #tpu.memory_space<semaphore_mem>>) src(%dma_wait3A_242 : memref<8192x1024xf32, #tpu.memory_space<hbm>>) dst(%arg10 : memref<16x1024xf32, #tpu.memory_space<vmem>>)
    %add3A_243 = arith.constant 176 : i32
    %add3A_244 = arith.addi %mul3A_2, %add3A_243 : i32
    %dma_start3A_245 = arith.constant 0 : i32
    %dma_start3A_246 = tpu.memref_slice %arg4[%add3A_244, %dma_start3A_245] : memref<8192x1024xf32, #tpu.memory_space<hbm>> -> memref<16x1024xf32, #tpu.memory_space<hbm>>
    %dma_start3A_247 = arith.constant 0 : i32
    %dma_start3A_248 = tpu.memref_slice %arg4[%add3A_244, %dma_start3A_247] : memref<8192x1024xf32, #tpu.memory_space<hbm>> -> memref<16x1024xf32, #tpu.memory_space<hbm>>
    tpu.enqueue_dma source(%arg10 : memref<16x1024xf32, #tpu.memory_space<vmem>>) target(%dma_start3A_248 : memref<16x1024xf32, #tpu.memory_space<hbm>>) target_semaphore(%arg24 : memref<!tpu.dma_semaphore, #tpu.memory_space<semaphore_mem>>)
    %dma_wait3A_249 = arith.constant 192 : i32
    %dma_wait3A_250 = tpu.memref_slice %arg5[%dma_wait3A_249] : memref<256xi32, #tpu.memory_space<vmem>> -> memref<16xi32, #tpu.memory_space<vmem>>
    %dma_wait3A_251 = arith.constant 0 : i32
    %dma_wait3A_252 = arith.constant 0 : i32
    %dma_wait3A_253 = tpu.memref_slice %arg3[%dma_wait3A_251, %dma_wait3A_252] : memref<8192x1024xf32, #tpu.memory_space<hbm>> -> memref<8192x1024xf32, #tpu.memory_space<hbm>>
    tpu.wait_indirect_dma semaphore(%arg18 : memref<!tpu.dma_semaphore, #tpu.memory_space<semaphore_mem>>) src(%dma_wait3A_253 : memref<8192x1024xf32, #tpu.memory_space<hbm>>) dst(%arg11 : memref<16x1024xf32, #tpu.memory_space<vmem>>)
    %add3A_254 = arith.constant 192 : i32
    %add3A_255 = arith.addi %mul3A_2, %add3A_254 : i32
    %dma_start3A_256 = arith.constant 0 : i32
    %dma_start3A_257 = tpu.memref_slice %arg4[%add3A_255, %dma_start3A_256] : memref<8192x1024xf32, #tpu.memory_space<hbm>> -> memref<16x1024xf32, #tpu.memory_space<hbm>>
    %dma_start3A_258 = arith.constant 0 : i32
    %dma_start3A_259 = tpu.memref_slice %arg4[%add3A_255, %dma_start3A_258] : memref<8192x1024xf32, #tpu.memory_space<hbm>> -> memref<16x1024xf32, #tpu.memory_space<hbm>>
    tpu.enqueue_dma source(%arg11 : memref<16x1024xf32, #tpu.memory_space<vmem>>) target(%dma_start3A_259 : memref<16x1024xf32, #tpu.memory_space<hbm>>) target_semaphore(%arg25 : memref<!tpu.dma_semaphore, #tpu.memory_space<semaphore_mem>>)
    %dma_wait3A_260 = arith.constant 208 : i32
    %dma_wait3A_261 = tpu.memref_slice %arg5[%dma_wait3A_260] : memref<256xi32, #tpu.memory_space<vmem>> -> memref<16xi32, #tpu.memory_space<vmem>>
    %dma_wait3A_262 = arith.constant 0 : i32
    %dma_wait3A_263 = arith.constant 0 : i32
    %dma_wait3A_264 = tpu.memref_slice %arg3[%dma_wait3A_262, %dma_wait3A_263] : memref<8192x1024xf32, #tpu.memory_space<hbm>> -> memref<8192x1024xf32, #tpu.memory_space<hbm>>
    tpu.wait_indirect_dma semaphore(%arg19 : memref<!tpu.dma_semaphore, #tpu.memory_space<semaphore_mem>>) src(%dma_wait3A_264 : memref<8192x1024xf32, #tpu.memory_space<hbm>>) dst(%arg12 : memref<16x1024xf32, #tpu.memory_space<vmem>>)
    %add3A_265 = arith.constant 208 : i32
    %add3A_266 = arith.addi %mul3A_2, %add3A_265 : i32
    %dma_start3A_267 = arith.constant 0 : i32
    %dma_start3A_268 = tpu.memref_slice %arg4[%add3A_266, %dma_start3A_267] : memref<8192x1024xf32, #tpu.memory_space<hbm>> -> memref<16x1024xf32, #tpu.memory_space<hbm>>
    %dma_start3A_269 = arith.constant 0 : i32
    %dma_start3A_270 = tpu.memref_slice %arg4[%add3A_266, %dma_start3A_269] : memref<8192x1024xf32, #tpu.memory_space<hbm>> -> memref<16x1024xf32, #tpu.memory_space<hbm>>
    tpu.enqueue_dma source(%arg12 : memref<16x1024xf32, #tpu.memory_space<vmem>>) target(%dma_start3A_270 : memref<16x1024xf32, #tpu.memory_space<hbm>>) target_semaphore(%arg26 : memref<!tpu.dma_semaphore, #tpu.memory_space<semaphore_mem>>)
    %dma_wait3A_271 = arith.constant 224 : i32
    %dma_wait3A_272 = tpu.memref_slice %arg5[%dma_wait3A_271] : memref<256xi32, #tpu.memory_space<vmem>> -> memref<16xi32, #tpu.memory_space<vmem>>
    %dma_wait3A_273 = arith.constant 0 : i32
    %dma_wait3A_274 = arith.constant 0 : i32
    %dma_wait3A_275 = tpu.memref_slice %arg3[%dma_wait3A_273, %dma_wait3A_274] : memref<8192x1024xf32, #tpu.memory_space<hbm>> -> memref<8192x1024xf32, #tpu.memory_space<hbm>>
    tpu.wait_indirect_dma semaphore(%arg13 : memref<!tpu.dma_semaphore, #tpu.memory_space<semaphore_mem>>) src(%dma_wait3A_275 : memref<8192x1024xf32, #tpu.memory_space<hbm>>) dst(%arg6 : memref<16x1024xf32, #tpu.memory_space<vmem>>)
    %add3A_276 = arith.constant 224 : i32
    %add3A_277 = arith.addi %mul3A_2, %add3A_276 : i32
    %dma_start3A_278 = arith.constant 0 : i32
    %dma_start3A_279 = tpu.memref_slice %arg4[%add3A_277, %dma_start3A_278] : memref<8192x1024xf32, #tpu.memory_space<hbm>> -> memref<16x1024xf32, #tpu.memory_space<hbm>>
    %dma_start3A_280 = arith.constant 0 : i32
    %dma_start3A_281 = tpu.memref_slice %arg4[%add3A_277, %dma_start3A_280] : memref<8192x1024xf32, #tpu.memory_space<hbm>> -> memref<16x1024xf32, #tpu.memory_space<hbm>>
    tpu.enqueue_dma source(%arg6 : memref<16x1024xf32, #tpu.memory_space<vmem>>) target(%dma_start3A_281 : memref<16x1024xf32, #tpu.memory_space<hbm>>) target_semaphore(%arg20 : memref<!tpu.dma_semaphore, #tpu.memory_space<semaphore_mem>>)
    %dma_wait3A_282 = arith.constant 240 : i32
    %dma_wait3A_283 = tpu.memref_slice %arg5[%dma_wait3A_282] : memref<256xi32, #tpu.memory_space<vmem>> -> memref<16xi32, #tpu.memory_space<vmem>>
    %dma_wait3A_284 = arith.constant 0 : i32
    %dma_wait3A_285 = arith.constant 0 : i32
    %dma_wait3A_286 = tpu.memref_slice %arg3[%dma_wait3A_284, %dma_wait3A_285] : memref<8192x1024xf32, #tpu.memory_space<hbm>> -> memref<8192x1024xf32, #tpu.memory_space<hbm>>
    tpu.wait_indirect_dma semaphore(%arg14 : memref<!tpu.dma_semaphore, #tpu.memory_space<semaphore_mem>>) src(%dma_wait3A_286 : memref<8192x1024xf32, #tpu.memory_space<hbm>>) dst(%arg7 : memref<16x1024xf32, #tpu.memory_space<vmem>>)
    %add3A_287 = arith.constant 240 : i32
    %add3A_288 = arith.addi %mul3A_2, %add3A_287 : i32
    %dma_start3A_289 = arith.constant 0 : i32
    %dma_start3A_290 = tpu.memref_slice %arg4[%add3A_288, %dma_start3A_289] : memref<8192x1024xf32, #tpu.memory_space<hbm>> -> memref<16x1024xf32, #tpu.memory_space<hbm>>
    %dma_start3A_291 = arith.constant 0 : i32
    %dma_start3A_292 = tpu.memref_slice %arg4[%add3A_288, %dma_start3A_291] : memref<8192x1024xf32, #tpu.memory_space<hbm>> -> memref<16x1024xf32, #tpu.memory_space<hbm>>
    tpu.enqueue_dma source(%arg7 : memref<16x1024xf32, #tpu.memory_space<vmem>>) target(%dma_start3A_292 : memref<16x1024xf32, #tpu.memory_space<hbm>>) target_semaphore(%arg21 : memref<!tpu.dma_semaphore, #tpu.memory_space<semaphore_mem>>)
    %dma_wait3A_293 = arith.constant 0 : i32
    %dma_wait3A_294 = tpu.memref_slice %arg4[%add3A_213, %dma_wait3A_293] : memref<8192x1024xf32, #tpu.memory_space<hbm>> -> memref<16x1024xf32, #tpu.memory_space<hbm>>
    %dma_wait3A_295 = arith.constant 0 : i32
    %dma_wait3A_296 = tpu.memref_slice %arg4[%add3A_213, %dma_wait3A_295] : memref<8192x1024xf32, #tpu.memory_space<hbm>> -> memref<16x1024xf32, #tpu.memory_space<hbm>>
    tpu.wait_dma2 semaphore(%arg22 : memref<!tpu.dma_semaphore, #tpu.memory_space<semaphore_mem>>) src(%arg8 : memref<16x1024xf32, #tpu.memory_space<vmem>>) dst(%dma_wait3A_296 : memref<16x1024xf32, #tpu.memory_space<hbm>>)
    %dma_wait3A_297 = arith.constant 0 : i32
    %dma_wait3A_298 = tpu.memref_slice %arg4[%add3A_233, %dma_wait3A_297] : memref<8192x1024xf32, #tpu.memory_space<hbm>> -> memref<16x1024xf32, #tpu.memory_space<hbm>>
    %dma_wait3A_299 = arith.constant 0 : i32
    %dma_wait3A_300 = tpu.memref_slice %arg4[%add3A_233, %dma_wait3A_299] : memref<8192x1024xf32, #tpu.memory_space<hbm>> -> memref<16x1024xf32, #tpu.memory_space<hbm>>
    tpu.wait_dma2 semaphore(%arg23 : memref<!tpu.dma_semaphore, #tpu.memory_space<semaphore_mem>>) src(%arg9 : memref<16x1024xf32, #tpu.memory_space<vmem>>) dst(%dma_wait3A_300 : memref<16x1024xf32, #tpu.memory_space<hbm>>)
    %dma_wait3A_301 = arith.constant 0 : i32
    %dma_wait3A_302 = tpu.memref_slice %arg4[%add3A_244, %dma_wait3A_301] : memref<8192x1024xf32, #tpu.memory_space<hbm>> -> memref<16x1024xf32, #tpu.memory_space<hbm>>
    %dma_wait3A_303 = arith.constant 0 : i32
    %dma_wait3A_304 = tpu.memref_slice %arg4[%add3A_244, %dma_wait3A_303] : memref<8192x1024xf32, #tpu.memory_space<hbm>> -> memref<16x1024xf32, #tpu.memory_space<hbm>>
    tpu.wait_dma2 semaphore(%arg24 : memref<!tpu.dma_semaphore, #tpu.memory_space<semaphore_mem>>) src(%arg10 : memref<16x1024xf32, #tpu.memory_space<vmem>>) dst(%dma_wait3A_304 : memref<16x1024xf32, #tpu.memory_space<hbm>>)
    %dma_wait3A_305 = arith.constant 0 : i32
    %dma_wait3A_306 = tpu.memref_slice %arg4[%add3A_255, %dma_wait3A_305] : memref<8192x1024xf32, #tpu.memory_space<hbm>> -> memref<16x1024xf32, #tpu.memory_space<hbm>>
    %dma_wait3A_307 = arith.constant 0 : i32
    %dma_wait3A_308 = tpu.memref_slice %arg4[%add3A_255, %dma_wait3A_307] : memref<8192x1024xf32, #tpu.memory_space<hbm>> -> memref<16x1024xf32, #tpu.memory_space<hbm>>
    tpu.wait_dma2 semaphore(%arg25 : memref<!tpu.dma_semaphore, #tpu.memory_space<semaphore_mem>>) src(%arg11 : memref<16x1024xf32, #tpu.memory_space<vmem>>) dst(%dma_wait3A_308 : memref<16x1024xf32, #tpu.memory_space<hbm>>)
    %dma_wait3A_309 = arith.constant 0 : i32
    %dma_wait3A_310 = tpu.memref_slice %arg4[%add3A_266, %dma_wait3A_309] : memref<8192x1024xf32, #tpu.memory_space<hbm>> -> memref<16x1024xf32, #tpu.memory_space<hbm>>
    %dma_wait3A_311 = arith.constant 0 : i32
    %dma_wait3A_312 = tpu.memref_slice %arg4[%add3A_266, %dma_wait3A_311] : memref<8192x1024xf32, #tpu.memory_space<hbm>> -> memref<16x1024xf32, #tpu.memory_space<hbm>>
    tpu.wait_dma2 semaphore(%arg26 : memref<!tpu.dma_semaphore, #tpu.memory_space<semaphore_mem>>) src(%arg12 : memref<16x1024xf32, #tpu.memory_space<vmem>>) dst(%dma_wait3A_312 : memref<16x1024xf32, #tpu.memory_space<hbm>>)
    %dma_wait3A_313 = arith.constant 0 : i32
    %dma_wait3A_314 = tpu.memref_slice %arg4[%add3A_277, %dma_wait3A_313] : memref<8192x1024xf32, #tpu.memory_space<hbm>> -> memref<16x1024xf32, #tpu.memory_space<hbm>>
    %dma_wait3A_315 = arith.constant 0 : i32
    %dma_wait3A_316 = tpu.memref_slice %arg4[%add3A_277, %dma_wait3A_315] : memref<8192x1024xf32, #tpu.memory_space<hbm>> -> memref<16x1024xf32, #tpu.memory_space<hbm>>
    tpu.wait_dma2 semaphore(%arg20 : memref<!tpu.dma_semaphore, #tpu.memory_space<semaphore_mem>>) src(%arg6 : memref<16x1024xf32, #tpu.memory_space<vmem>>) dst(%dma_wait3A_316 : memref<16x1024xf32, #tpu.memory_space<hbm>>)
    %dma_wait3A_317 = arith.constant 0 : i32
    %dma_wait3A_318 = tpu.memref_slice %arg4[%add3A_288, %dma_wait3A_317] : memref<8192x1024xf32, #tpu.memory_space<hbm>> -> memref<16x1024xf32, #tpu.memory_space<hbm>>
    %dma_wait3A_319 = arith.constant 0 : i32
    %dma_wait3A_320 = tpu.memref_slice %arg4[%add3A_288, %dma_wait3A_319] : memref<8192x1024xf32, #tpu.memory_space<hbm>> -> memref<16x1024xf32, #tpu.memory_space<hbm>>
    tpu.wait_dma2 semaphore(%arg21 : memref<!tpu.dma_semaphore, #tpu.memory_space<semaphore_mem>>) src(%arg7 : memref<16x1024xf32, #tpu.memory_space<vmem>>) dst(%dma_wait3A_320 : memref<16x1024xf32, #tpu.memory_space<hbm>>)
    return
  }
}

</mosaic_0001>

<sc_bundles>
// kernel: kernel.3.cloned.1.call-start
scs
__scs_entry_jumppad:
0x0: {  	(pc) =	sbr.rel $0x88, $3  }
0x1: {  	(tag) =	ssettag $0x0;
	lr =	simm.s32 $0x1  }
0x2: {  	[smem:$0x3F9F] =	sst lr;
	_ =	strace $0xD0000000  }
0x3: {  	_ = 	snop  }
0x4: {  	_ = 	snop  }
0x5: {  	_ = 	snop  }
0x6: {  	_ = 	snop  }
0x7: {  	_ = 	snop  }
__scs_overlays_trampoline_lowered:
0x8: {  	[smem:$0x3FAE] =	sst s0  }
0x9: {  	[smem:$0x3FAF] =	sst s1  }
0xa: {  	[smem:$0x3FB0] =	sst s2  }
0xb: {  	[smem:$0x3FB1] =	sst s3  }
0xc: {  	[smem:$0x3FB2] =	sst s4  }
0xd: {  	[smem:$0x3FB3] =	sst s5  }
0xe: {  	[smem:$0x3FB4] =	sst s6  }
0xf: {  	[smem:$0x3FB5] =	sst s7  }
0x10: {  	[smem:$0x3FB6] =	sst s8  }
0x11: {  	[smem:$0x3FB7] =	sst s9;
	s0 =	simm.s32 @!p0 $0x0  }
0x12: {  	s1 =	sld [smem:$0x3F9D];
	s0 =	simm.s32 @p0 $0x1  }
0x13: {  	[smem:$0x3FB8] =	sst s0;
	s0 =	simm.s32 @!p1 $0x0  }
0x14: {  	s2 =	sld [smem:$0x3F9C];
	s0 =	simm.s32 @p1 $0x1  }
0x15: {  	[smem:$0x3FB9] =	sst s0;
	s0 =	simm.s32 @!p2 $0x0  }
0x16: {  	s3 =	sld [smem:$0x3FDB];
	s0 =	simm.s32 @p2 $0x1  }
0x17: {  	s4 =	simm.s32 $0x1BF5;
	[smem:$0x3FBB] =	sst s0  }
0x18: {  	s0 =	sld [smem:$0x3F9E];
	_ =	swait.ge [sflag:s4], $0x0  }
0x19: {  	s7 =	sld [smem:$0x3F9F]  }
0x1a: {  	s8 =	sadd.s32 $0xFFFFE003, lr  }
0x1b: {  	s9 =	sadd.s32 $0xFFFFFEF7, lr;
	s5 =	simm.s32 $0xFFFFFFFF;
	p2 =	slt.u32 s8, $0xFFFFF086  }
0x1c: {  	p1 =	slt.u32 s9, $0xF7A;
	s5 =	simm.s32 @!p2 $0x0  }
0x1d: {  	s5 =	simm.s32 @p1 $0x1;
	p0 =	seq.s32 s7, s2  }
0x1e: {  	s7 =	smul.u32 @!p0 $0xF7A, s2;
	p2 =	seq.s32 @!p0 s5, $0x0  }
0x1f: {  	s9 =	smul.u32 $0xF7A, s1;
	s8 =	simm.s32 @!p0 $0x1BF5;
	p2 =	por !p2, p0  }
0x20: {  	[sflag:s8] =	ssyncset.s32 @!p0 $0xFFFFF086;
	s6 =	sadd.s32 @!p0 s3, s7;
	s7 =	simm.s32 @!p0 $0x108  }
0x21: {  	s3 =	sadd.s32 s3, s9;
	s6 =	sadd.s32 @!p0 $0x88, s6;
	s7 =	simm.s32 @p2 $0x1082  }
0x22: {  	[simem:s7], [sflag:s8] =	dma.local @!p0 [hbm:s6], $0xF7A  }
0x23: {  	s9 =	sor.u32 $0xD0000000, s2;
	s6 =	simm.s32 $0x108;
	_ =	swait.ge @!p0 [sflag:s8], $0x0  }
0x24: {  	s3 =	sadd.s32 $0x88, s3;
	s6 =	simm.s32 @!p1 $0x1082;
	[sflag:s4] =	ssyncset.s32 $0xFFFFF086  }
0x25: {  	[simem:s6], [sflag:s4] =	dma.local [hbm:s3], $0xF7A  }
0x26: {  	[smem:$0x3F9F] =	sst s1;
	(tag) =	ssettag s2;
	_ =	strace s9  }
0x27: {  	s1 =	sld [smem:$0x3FAF]  }
0x28: {  	s2 =	sld [smem:$0x3FB0]  }
0x29: {  	s4 =	sld [smem:$0x3FB2]  }
0x2a: {  	p0 =	seq.s32 s5, $0x0;
	s5 =	sld [smem:$0x3FB3]  }
0x2b: {  	s6 =	sld [smem:$0x3FB4]  }
0x2c: {  	s7 =	sld [smem:$0x3FB5]  }
0x2d: {  	s3 =	simm.s32 $0x108;
	s8 =	sld [smem:$0x3FB6]  }
0x2e: {  	s3 =	simm.s32 @!p0 $0x1082;
	s9 =	sld [smem:$0x3FB7]  }
0x2f: {  	lr =	sadd.s32 s0, s3;
	s0 =	sld [smem:$0x3FAE]  }
0x30: {  	s3 =	sld [smem:$0x3FB1]  }
0x31: {  	[smem:$0x3FBA] =	sst s10  }
0x32: {  	s10 =	sld [smem:$0x3FB8];
	_ =	sdelay $0x3  }
0x33: {  	p0 =	seq.s32 s10, $0x1;
	s10 =	sld [smem:$0x3FBA];
	_ =	sdelay $0x3  }
0x34: {  	[smem:$0x3FBA] =	sst s10  }
0x35: {  	s10 =	sld [smem:$0x3FB9];
	_ =	sdelay $0x3  }
0x36: {  	p1 =	seq.s32 s10, $0x1;
	s10 =	sld [smem:$0x3FBA];
	_ =	sdelay $0x3  }
0x37: {  	[smem:$0x3FBA] =	sst s10  }
0x38: {  	s10 =	sld [smem:$0x3FBB]  }
0x39: {  	_ = 	snop;
	(pc) =	sbr.ind lr, $3  }
0x3a: {  	_ = 	snop  }
0x3b: {  	_ = 	snop  }
0x3c: {  	p2 =	seq.s32 s10, $0x1;
	s10 =	sld [smem:$0x3FBA]  }
0x3d: {  	_ =	shalt  }
0x3e: {  	_ =	shalt  }
0x3f: {  	_ =	shalt  }
0x40: {  	_ =	shalt  }
0x41: {  	_ =	shalt  }
0x42: {  	_ =	shalt  }
0x43: {  	_ =	shalt  }
0x44: {  	_ =	shalt  }
0x45: {  	_ =	shalt  }
0x46: {  	_ =	shalt  }
0x47: {  	_ =	shalt  }
0x48: {  	_ =	shalt  }
0x49: {  	_ =	shalt  }
0x4a: {  	_ =	shalt  }
0x4b: {  	_ =	shalt  }
0x4c: {  	_ =	shalt  }
0x4d: {  	_ =	shalt  }
0x4e: {  	_ =	shalt  }
0x4f: {  	_ =	shalt  }
0x50: {  	_ =	shalt  }
0x51: {  	_ =	shalt  }
0x52: {  	_ =	shalt  }
0x53: {  	_ =	shalt  }
0x54: {  	_ =	shalt  }
0x55: {  	_ =	shalt  }
0x56: {  	_ =	shalt  }
0x57: {  	_ =	shalt  }
0x58: {  	_ =	shalt  }
0x59: {  	_ =	shalt  }
0x5a: {  	_ =	shalt  }
0x5b: {  	_ =	shalt  }
0x5c: {  	_ =	shalt  }
0x5d: {  	_ =	shalt  }
0x5e: {  	_ =	shalt  }
0x5f: {  	_ =	shalt  }
0x60: {  	_ =	shalt  }
0x61: {  	_ =	shalt  }
0x62: {  	_ =	shalt  }
0x63: {  	_ =	shalt  }
0x64: {  	_ =	shalt  }
0x65: {  	_ =	shalt  }
0x66: {  	_ =	shalt  }
0x67: {  	_ =	shalt  }
0x68: {  	_ =	shalt  }
0x69: {  	_ =	shalt  }
0x6a: {  	_ =	shalt  }
0x6b: {  	_ =	shalt  }
0x6c: {  	_ =	shalt  }
0x6d: {  	_ =	shalt  }
0x6e: {  	_ =	shalt  }
0x6f: {  	_ =	shalt  }
0x70: {  	_ =	shalt  }
0x71: {  	_ =	shalt  }
0x72: {  	_ =	shalt  }
0x73: {  	_ =	shalt  }
0x74: {  	_ =	shalt  }
0x75: {  	_ =	shalt  }
0x76: {  	_ =	shalt  }
0x77: {  	_ =	shalt  }
0x78: {  	_ =	shalt  }
0x79: {  	_ =	shalt  }
0x7a: {  	_ =	shalt  }
0x7b: {  	_ =	shalt  }
0x7c: {  	_ =	shalt  }
0x7d: {  	_ =	shalt  }
0x7e: {  	_ =	shalt  }
0x7f: {  	_ =	shalt  }
0x80: {  	_ =	shalt  }
0x81: {  	_ =	shalt  }
0x82: {  	_ =	shalt  }
0x83: {  	_ =	shalt  }
0x84: {  	_ =	shalt  }
0x85: {  	_ =	shalt  }
0x86: {  	_ =	shalt  }
0x87: {  	_ =	shalt  }
.Lfunc_end0:
.L_simem_size_0:
called_computation_lowered:
.L_overlay_start_0:
0x88: {  	s2 =	sld [smem:$0x3FD9]  }
0x89: {  	s3 =	sld [smem:$0x3FFE];
	_ =	sdelay $0x1  }
0x8a: {  	s1 =	srdreg.scid  }
0x8b: {  	s0 =	sand.u32 $0x1, s1  }
0x8c: {  	s18 =	sshll.u32 s0, $0xA;
	s2 =	sadd.s32 s3, s2  }
0x8d: {  	s2 =	sadd.s32 s2, s18  }
0x8e: {  	[smem:$0x3FC6] =	sst s2  }
0x8f: {  	_ = 	snop  }
0x90: {  	s2 =	sld [smem:$0x3FC9]  }
0x91: {  	s19 =	sld [smem:$0x3FC8]  }
0x92: {  	s4 =	sld [smem:$0x3FD0];
	(tm) =	ssettm $0x1  }
0x93: {  	s5 =	sld [smem:$0x3FFB];
	_ =	sdelay $0x3  }
0x94: {  	_ =	strace s5  }
0x95: {  	s5 =	sld [smem:$0x3FFC];
	_ =	sdelay $0x3  }
0x96: {  	_ =	strace s5  }
0x97: {  	s5 =	sld [smem:$0x3FFD];
	_ =	sdelay $0x3  }
0x98: {  	_ =	strace s5  }
0x99: {  	_ =	strace $0x8FFFFFFF  }
0x9a: {  	s20 =	sld [smem:$0x3FDB];
	_ =	sdelay $0x1  }
0x9b: {  	s6 =	simm.s32 $_scs_section_size  }
0x9c: {  	s7 =	simm.s32 $_size__tile_overlayer_lowered;
	s8 =	simm.s32 $_tile_overlayer_lowered  }
0x9d: {  	s23 =	simm.s32 $0x1BFF;
	s22 =	sshll.u32 s8, $0x1;
	s5 =	sadd.s32 s6, s20  }
0x9e: {  	s9 =	simm.s32 $0x0;
	s21 =	sshll.u32 s7, $0x1;
	s7 =	sadd.s32 s22, s5  }
0x9f: {  	[timem:s9], [sflag:s23] =	dma.local [hbm:s7], s21  }
0xa0: {  	_ =	swait.ge [sflag:s23], s21  }
0xa1: {  	s6 =	ssub.s32 $0x0, s21;
	[sflag:s23] =	ssyncset.done $0x0  }
0xa2: {  	[sflag:s23] =	ssyncadd.s32 s6;
	_ =	sdelay $0x1  }
0xa3: {  	s24 =	simm.s32 $0x1B8B  }
0xa4: {  	_ =	swait.ge [sflag:s24], $0x1  }
0xa5: {  	[sflag:s24] =	ssyncset.done $0x0  }
0xa6: {  	s25 =	simm.s32 $0x1B8E;
	[sflag:s24] =	ssyncadd.s32 $0xFFFFFFFF  }
0xa7: {  	s26 =	simm.s32 $execute0_lowered;
	[smem:$0x3FD2] =	sst s25  }
0xa8: {  	s6 =	sshll.u32 s26, $0x1;
	_ =	strace $0x80000046;
	[dreg:$0x1] =	wrdreg $0xFFFFFFFF  }
0xa9: {  	s28 =	simm.s32 $_size_execute0_lowered;
	s5 =	sadd.s32 s5, s6;
	[dreg:$0x0] =	wrdreg $0x0  }
0xaa: {  	s6 =	sshll.u32 s28, $0x1;
	[dreg:$0x2] =	wrdreg s5  }
0xab: {  	[dreg:$0x3] =	wrdreg s6  }
0xac: {  	[dreg:$0x4] =	wrdreg $0xC0  }
0xad: {  	_ =	task [dreg:s9], $0x5FFFF  }
0xae: {  	[dreg:$0x1] =	wrdreg $0xFFFFFFFF  }
0xaf: {  	[dreg:$0x0] =	wrdreg $0x60  }
0xb0: {  	[dreg:$0x2] =	wrdreg s2  }
0xb1: {  	[dreg:$0x3] =	wrdreg s19  }
0xb2: {  	[dreg:$0x4] =	wrdreg s4  }
0xb3: {  	[dreg:$0x5] =	wrdreg $0x9  }
0xb4: {  	_ =	task.clear_ibuf [dreg:s9], $0x6FFFF;
	_ =	strace $0x90000046  }
0xb5: {  	s29 =	simm.s32 $0x9;
	_ =	strace $0x80000048  }
0xb6: {  	_ =	swait.ge [sflag:s29], $0x1  }
0xb7: {  	[sflag:s29] =	ssyncadd.s32 $0xFFFFFFFF  }
0xb8: {  	_ =	strace $0x90000048  }
0xb9: {  	_ =	sfence  }
0xba: {  	s30 =	sld [smem:$0x0];
	_ =	sdelay $0x2  }
0xbb: {  	s31 =	sshll.u32 s1, $0xD;
	s1 =	sshrl.u32 s1, $0x2  }
0xbc: {  	s3 =	sand.u32 $0x4000, s31;
	s1 =	sadd.s32 s1, s30  }
0xbd: {  	s0 =	sor.u32 s3, s0;
	s1 =	sshll.u32 s1, $0x11  }
0xbe: {  	s0 =	sor.u32 s1, s0  }
0xbf: {  	s0 =	sadd.s32 $0x8F2B, s0  }
0xc0: {  	[sflag:s0] =	ssyncadd.remote.s32 $0x1  }
0xc1: {  	_ =	sfence.sel $0xFFFF  }
0xc2: {  	[dreg:$0x0] =	wrdreg $0xFFFFFFFF;
	(pc) =	sbr.abs _section_cstart, $3  }
0xc3: {  	[dreg:$0x1] =	wrdreg $0xFFFFFFFF  }
0xc4: {  	_ =	task.clear_ibuf [dreg:s9], $0x2FFFF;
	_ =	strace $0x9FFFFFFF  }
0xc5: {  	(tm) =	ssettm $0x7FFFFFFF  }
tec
execute0_lowered:
.L_overlay_start_1:
0x0: {  	(tag) =	ssettag $0x1  }
0x1: {  	s1 =	srdreg.scid  }
0x2: {  	s3 =	stileid.u32;
	s1 =	sand.u32 $0x1, s1  }
0x3: {  	s0 =	rddreg [dreg:$0x0];
	s5 =	sshll.u32 s3, $0x9;
	s6 =	sshll.u32 s1, $0x8  }
0x4: {  	s2 =	rddreg [dreg:$0x1];
	s5 =	sor.u32 s6, s5  }
0x5: {  	s4 =	rddreg [dreg:$0x2];
	s3 =	simm.s32 $0x0;
	s6 =	sshrl.u32 s5, $0x3  }
0x6: {  	[smem:$0x7FF] =	sst s3;
	s5 =	sshll.u32 s5, $0x7;
	s0 =	sadd.s32 s0, s6  }
0x7: {  	_ =	strace $0x80000047;
	s12 =	sadd.s32 s4, s5;
	[dreg:$0x4] =	wrdreg s0  }
0x8: {  	s13 =	sadd.s32 $0x800, s12;
	[dreg:$0x14] =	wrdreg s12  }
0x9: {  	s14 =	sadd.s32 $0x1000, s12;
	[dreg:$0x5] =	wrdreg s13  }
0xa: {  	s11 =	simm.s32 $0x9;
	s15 =	sadd.s32 $0x1800, s12;
	[dreg:$0x6] =	wrdreg s14  }
0xb: {  	s30 =	simm.s32 $0x8900;
	s16 =	sadd.s32 $0x2000, s12;
	[dreg:$0x7] =	wrdreg s15  }
0xc: {  	s29 =	simm.s32 $0xB900;
	s17 =	sadd.s32 $0x2800, s12;
	[dreg:$0x8] =	wrdreg s16  }
0xd: {  	s7 =	sadd.s32 $0x300, s2;
	s18 =	sadd.s32 $0x3000, s12;
	[dreg:$0x9] =	wrdreg s17  }
0xe: {  	s1 =	ssub.s32 $0x2, s1;
	s19 =	sadd.s32 $0x3800, s12;
	[dreg:$0xa] =	wrdreg s18  }
0xf: {  	s25 =	sshrl.u32 s1, $0x1;
	s20 =	sadd.s32 $0x4000, s12;
	[dreg:$0xb] =	wrdreg s19  }
0x10: {  	s1 =	ssub.s32 s1, s25;
	s21 =	sadd.s32 $0x4800, s12;
	[dreg:$0xc] =	wrdreg s20  }
0x11: {  	s5 =	sadd.s32 $0x100, s2;
	s22 =	sadd.s32 $0x5000, s12;
	[dreg:$0xd] =	wrdreg s21  }
0x12: {  	s6 =	sadd.s32 $0x200, s2;
	s23 =	sadd.s32 $0x5800, s12;
	[dreg:$0xe] =	wrdreg s22  }
0x13: {  	s8 =	smax.u32 s1, $0x1;
	s24 =	sadd.s32 $0x6000, s12;
	[dreg:$0xf] =	wrdreg s23  }
0x14: {  	s4 =	simm.s32 $0x8;
	s26 =	sadd.s32 $0x6800, s12;
	[dreg:$0x10] =	wrdreg s24  }
0x15: {  	v2 =	vlaneseq.u32;
	s28 =	sadd.s32 $0x7000, s12;
	s31 =	sadd.s32 $0x7800, s12;
	[dreg:$0x11] =	wrdreg s26  }
0x16: {  	vm0 =	vmmov $0xffff;
	v1 =	vshrl.u32 v2, $0x3;
	s12 =	simm.s32 $0x1;
	s0 =	simm.s32 $0x2;
	[dreg:$0x12] =	wrdreg s28  }
0x17: {  	v0 =	vand.u32 $0x7, v2;
	v2 =	vor.u32 $0x8, v2;
	v1 =	vmul.u32 $0x8, v1;
	[dreg:$0x13] =	wrdreg s31;
	s18 =	simm.s32 $0x100;
	s26 =	simm.s32 $0xB100  }
.LBB2_1:
0x18: {  	s22 =	rddreg [dreg:$0x4];
	s15 =	simm.s32 $0xF  }
0x19: {  	[tilespmem:s3], [sflag:$0xF] =	stream.linear.gather [hbm4b:s22+s3], $0x100, $0x38;
	[tilespmem:$0x1C100] =	vst v63  }
0x1a: {  	_ =	swait.ge [sflag:s15], $0x100  }
0x1b: {  	[sflag:s15] =	ssyncset.done $0x0  }
0x1c: {  	[sflag:s15] =	ssyncadd.s32 $0xFFFFFF00  }
0x1d: {  	v3 =	vld [tilespmem:$0x0];
	_ =	sdelay $0x4  }
0x1e: {  	v4 =	vshll.u32 v3, $0x3  }
0x1f: {  	v3 =	vand.u32 $0x7, v3;
	v4 =	vand.u32 $0xFFFFFFC0, v4  }
0x20: {  	v3 =	vor.u32 v3, v4  }
0x21: {  	v4 =	vperm.xlane v3, v0;
	_ =	sdelay $0x1  }
0x22: {  	v4 =	vadd.s32 v1, v4;
	_ =	sdelay $0x4  }
0x23: {  	[tilespmem:s18], [sflag:$0x1] =	stream.indirect_vreg.gather [hbm4b:s2+s3], $0x80, v4, vm0, $0xb8;
	[tilespmem:$0x1C100] =	vst v63  }
0x24: {  	s1 =	simm.s32 $0x900;
	v3 =	vperm.xlane v3, v2  }
0x25: {  	[tilespmem:s1], [sflag:$0x1] =	stream.indirect_vreg.gather [hbm4b:s5+s3], $0x80, v4, vm0, $0xb8;
	[tilespmem:$0x1C100] =	vst v63  }
0x26: {  	s16 =	simm.s32 $0x1100;
	v3 =	vadd.s32 v1, v3  }
0x27: {  	[tilespmem:s16], [sflag:$0x1] =	stream.indirect_vreg.gather [hbm4b:s6+s3], $0x80, v4, vm0, $0xb8;
	[tilespmem:$0x1C100] =	vst v63  }
0x28: {  	s17 =	simm.s32 $0x1900  }
0x29: {  	[tilespmem:s17], [sflag:$0x1] =	stream.indirect_vreg.gather [hbm4b:s7+s3], $0x80, v4, vm0, $0xb8;
	[tilespmem:$0x1C100] =	vst v63  }
0x2a: {  	s19 =	simm.s32 $0x2100  }
0x2b: {  	[tilespmem:s19], [sflag:$0x1] =	stream.indirect_vreg.gather [hbm4b:s2+s3], $0x80, v3, vm0, $0xb8;
	[tilespmem:$0x1C100] =	vst v63  }
0x2c: {  	s20 =	simm.s32 $0x2900  }
0x2d: {  	[tilespmem:s20], [sflag:$0x1] =	stream.indirect_vreg.gather [hbm4b:s5+s3], $0x80, v3, vm0, $0xb8;
	[tilespmem:$0x1C100] =	vst v63  }
0x2e: {  	s22 =	simm.s32 $0x3100  }
0x2f: {  	[tilespmem:s22], [sflag:$0x1] =	stream.indirect_vreg.gather [hbm4b:s6+s3], $0x80, v3, vm0, $0xb8;
	[tilespmem:$0x1C100] =	vst v63  }
0x30: {  	s23 =	simm.s32 $0x3900  }
0x31: {  	[tilespmem:s23], [sflag:$0x1] =	stream.indirect_vreg.gather [hbm4b:s7+s3], $0x80, v3, vm0, $0xb8;
	[tilespmem:$0x1C100] =	vst v63  }
0x32: {  	v3 =	vld [tilespmem:$0x10];
	_ =	sdelay $0x4  }
0x33: {  	v49 =	vshll.u32 v3, $0x3  }
0x34: {  	v3 =	vand.u32 $0x7, v3;
	v4 =	vand.u32 $0xFFFFFFC0, v49  }
0x35: {  	v3 =	vor.u32 v3, v4  }
0x36: {  	v4 =	vperm.xlane v3, v0;
	_ =	sdelay $0x1  }
0x37: {  	v4 =	vadd.s32 v1, v4;
	_ =	sdelay $0x3  }
0x38: {  	s1 =	simm.s32 $0x4100  }
0x39: {  	[tilespmem:s1], [sflag:$0x2] =	stream.indirect_vreg.gather [hbm4b:s2+s3], $0x80, v4, vm0, $0xb8;
	[tilespmem:$0x1C100] =	vst v63  }
0x3a: {  	s9 =	simm.s32 $0x4900;
	v3 =	vperm.xlane v3, v2  }
0x3b: {  	[tilespmem:s9], [sflag:$0x2] =	stream.indirect_vreg.gather [hbm4b:s5+s3], $0x80, v4, vm0, $0xb8;
	[tilespmem:$0x1C100] =	vst v63  }
0x3c: {  	s24 =	simm.s32 $0x5100;
	v3 =	vadd.s32 v1, v3  }
0x3d: {  	[tilespmem:s24], [sflag:$0x2] =	stream.indirect_vreg.gather [hbm4b:s6+s3], $0x80, v4, vm0, $0xb8;
	[tilespmem:$0x1C100] =	vst v63  }
0x3e: {  	s25 =	simm.s32 $0x5900  }
0x3f: {  	[tilespmem:s25], [sflag:$0x2] =	stream.indirect_vreg.gather [hbm4b:s7+s3], $0x80, v4, vm0, $0xb8;
	[tilespmem:$0x1C100] =	vst v63  }
0x40: {  	s10 =	simm.s32 $0x6100  }
0x41: {  	[tilespmem:s10], [sflag:$0x2] =	stream.indirect_vreg.gather [hbm4b:s2+s3], $0x80, v3, vm0, $0xb8;
	[tilespmem:$0x1C100] =	vst v63  }
0x42: {  	s13 =	simm.s32 $0x6900  }
0x43: {  	[tilespmem:s13], [sflag:$0x2] =	stream.indirect_vreg.gather [hbm4b:s5+s3], $0x80, v3, vm0, $0xb8;
	[tilespmem:$0x1C100] =	vst v63  }
0x44: {  	s14 =	simm.s32 $0x7100  }
0x45: {  	[tilespmem:s14], [sflag:$0x2] =	stream.indirect_vreg.gather [hbm4b:s6+s3], $0x80, v3, vm0, $0xb8;
	[tilespmem:$0x1C100] =	vst v63  }
0x46: {  	s15 =	simm.s32 $0x7900  }
0x47: {  	[tilespmem:s15], [sflag:$0x2] =	stream.indirect_vreg.gather [hbm4b:s7+s3], $0x80, v3, vm0, $0xb8;
	[tilespmem:$0x1C100] =	vst v63  }
0x48: {  	v3 =	vld [tilespmem:$0x20];
	_ =	sdelay $0x4  }
0x49: {  	v50 =	vshll.u32 v3, $0x3  }
0x4a: {  	v3 =	vand.u32 $0x7, v3;
	v4 =	vand.u32 $0xFFFFFFC0, v50  }
0x4b: {  	v3 =	vor.u32 v3, v4  }
0x4c: {  	v4 =	vperm.xlane v3, v0;
	_ =	sdelay $0x1  }
0x4d: {  	v4 =	vadd.s32 v1, v4;
	_ =	sdelay $0x3  }
0x4e: {  	s16 =	simm.s32 $0x8100  }
0x4f: {  	[tilespmem:s16], [sflag:$0x3] =	stream.indirect_vreg.gather [hbm4b:s2+s3], $0x80, v4, vm0, $0xb8;
	[tilespmem:$0x1C100] =	vst v63  }
0x50: {  	v3 =	vperm.xlane v3, v2  }
0x51: {  	[tilespmem:s30], [sflag:$0x3] =	stream.indirect_vreg.gather [hbm4b:s5+s3], $0x80, v4, vm0, $0xb8;
	[tilespmem:$0x1C100] =	vst v63  }
0x52: {  	s10 =	simm.s32 $0x9100;
	v3 =	vadd.s32 v1, v3  }
0x53: {  	[tilespmem:s10], [sflag:$0x3] =	stream.indirect_vreg.gather [hbm4b:s6+s3], $0x80, v4, vm0, $0xb8;
	[tilespmem:$0x1C100] =	vst v63  }
0x54: {  	s23 =	simm.s32 $0x9900  }
0x55: {  	[tilespmem:s23], [sflag:$0x3] =	stream.indirect_vreg.gather [hbm4b:s7+s3], $0x80, v4, vm0, $0xb8;
	[tilespmem:$0x1C100] =	vst v63  }
0x56: {  	s24 =	simm.s32 $0xA100  }
0x57: {  	[tilespmem:s24], [sflag:$0x3] =	stream.indirect_vreg.gather [hbm4b:s2+s3], $0x80, v3, vm0, $0xb8;
	[tilespmem:$0x1C100] =	vst v63  }
0x58: {  	s25 =	simm.s32 $0xA900  }
0x59: {  	[tilespmem:s25], [sflag:$0x3] =	stream.indirect_vreg.gather [hbm4b:s5+s3], $0x80, v3, vm0, $0xb8;
	[tilespmem:$0x1C100] =	vst v63  }
0x5a: {  	_ = 	snop  }
0x5b: {  	[tilespmem:s26], [sflag:$0x3] =	stream.indirect_vreg.gather [hbm4b:s6+s3], $0x80, v3, vm0, $0xb8;
	[tilespmem:$0x1C100] =	vst v63  }
0x5c: {  	_ = 	snop  }
0x5d: {  	[tilespmem:s29], [sflag:$0x3] =	stream.indirect_vreg.gather [hbm4b:s7+s3], $0x80, v3, vm0, $0xb8;
	[tilespmem:$0x1C100] =	vst v63  }
0x5e: {  	v3 =	vld [tilespmem:$0x30];
	_ =	sdelay $0x4  }
0x5f: {  	v51 =	vshll.u32 v3, $0x3  }
0x60: {  	v3 =	vand.u32 $0x7, v3;
	v4 =	vand.u32 $0xFFFFFFC0, v51  }
0x61: {  	v3 =	vor.u32 v3, v4  }
0x62: {  	v4 =	vperm.xlane v3, v0;
	_ =	sdelay $0x1  }
0x63: {  	v4 =	vadd.s32 v1, v4;
	_ =	sdelay $0x3  }
0x64: {  	s17 =	simm.s32 $0xC100  }
0x65: {  	[tilespmem:s17], [sflag:$0x4] =	stream.indirect_vreg.gather [hbm4b:s2+s3], $0x80, v4, vm0, $0xb8;
	[tilespmem:$0x1C100] =	vst v63  }
0x66: {  	s19 =	simm.s32 $0xC900;
	v3 =	vperm.xlane v3, v2  }
0x67: {  	[tilespmem:s19], [sflag:$0x4] =	stream.indirect_vreg.gather [hbm4b:s5+s3], $0x80, v4, vm0, $0xb8;
	[tilespmem:$0x1C100] =	vst v63  }
0x68: {  	s20 =	simm.s32 $0xD100;
	v3 =	vadd.s32 v1, v3  }
0x69: {  	[tilespmem:s20], [sflag:$0x4] =	stream.indirect_vreg.gather [hbm4b:s6+s3], $0x80, v4, vm0, $0xb8;
	[tilespmem:$0x1C100] =	vst v63  }
0x6a: {  	s14 =	simm.s32 $0xD900  }
0x6b: {  	[tilespmem:s14], [sflag:$0x4] =	stream.indirect_vreg.gather [hbm4b:s7+s3], $0x80, v4, vm0, $0xb8;
	[tilespmem:$0x1C100] =	vst v63  }
0x6c: {  	s15 =	simm.s32 $0xE100  }
0x6d: {  	[tilespmem:s15], [sflag:$0x4] =	stream.indirect_vreg.gather [hbm4b:s2+s3], $0x80, v3, vm0, $0xb8;
	[tilespmem:$0x1C100] =	vst v63  }
0x6e: {  	s16 =	simm.s32 $0xE900  }
0x6f: {  	[tilespmem:s16], [sflag:$0x4] =	stream.indirect_vreg.gather [hbm4b:s5+s3], $0x80, v3, vm0, $0xb8;
	[tilespmem:$0x1C100] =	vst v63  }
0x70: {  	s17 =	simm.s32 $0xF100  }
0x71: {  	[tilespmem:s17], [sflag:$0x4] =	stream.indirect_vreg.gather [hbm4b:s6+s3], $0x80, v3, vm0, $0xb8;
	[tilespmem:$0x1C100] =	vst v63  }
0x72: {  	s19 =	simm.s32 $0xF900  }
0x73: {  	[tilespmem:s19], [sflag:$0x4] =	stream.indirect_vreg.gather [hbm4b:s7+s3], $0x80, v3, vm0, $0xb8;
	[tilespmem:$0x1C100] =	vst v63  }
0x74: {  	v3 =	vld [tilespmem:$0x40];
	_ =	sdelay $0x4  }
0x75: {  	v52 =	vshll.u32 v3, $0x3  }
0x76: {  	v3 =	vand.u32 $0x7, v3;
	v4 =	vand.u32 $0xFFFFFFC0, v52  }
0x77: {  	v3 =	vor.u32 v3, v4  }
0x78: {  	v4 =	vperm.xlane v3, v0;
	_ =	sdelay $0x1  }
0x79: {  	v4 =	vadd.s32 v1, v4;
	_ =	sdelay $0x3  }
0x7a: {  	s22 =	simm.s32 $0x10100  }
0x7b: {  	[tilespmem:s22], [sflag:$0x5] =	stream.indirect_vreg.gather [hbm4b:s2+s3], $0x80, v4, vm0, $0xb8;
	[tilespmem:$0x1C100] =	vst v63  }
0x7c: {  	s13 =	simm.s32 $0x10900;
	v3 =	vperm.xlane v3, v2  }
0x7d: {  	[tilespmem:s13], [sflag:$0x5] =	stream.indirect_vreg.gather [hbm4b:s5+s3], $0x80, v4, vm0, $0xb8;
	[tilespmem:$0x1C100] =	vst v63  }
0x7e: {  	s20 =	simm.s32 $0x11100;
	v3 =	vadd.s32 v1, v3  }
0x7f: {  	[tilespmem:s20], [sflag:$0x5] =	stream.indirect_vreg.gather [hbm4b:s6+s3], $0x80, v4, vm0, $0xb8;
	[tilespmem:$0x1C100] =	vst v63  }
0x80: {  	s22 =	simm.s32 $0x11900  }
0x81: {  	[tilespmem:s22], [sflag:$0x5] =	stream.indirect_vreg.gather [hbm4b:s7+s3], $0x80, v4, vm0, $0xb8;
	[tilespmem:$0x1C100] =	vst v63  }
0x82: {  	s13 =	simm.s32 $0x12100  }
0x83: {  	[tilespmem:s13], [sflag:$0x5] =	stream.indirect_vreg.gather [hbm4b:s2+s3], $0x80, v3, vm0, $0xb8;
	[tilespmem:$0x1C100] =	vst v63  }
0x84: {  	s20 =	simm.s32 $0x12900  }
0x85: {  	[tilespmem:s20], [sflag:$0x5] =	stream.indirect_vreg.gather [hbm4b:s5+s3], $0x80, v3, vm0, $0xb8;
	[tilespmem:$0x1C100] =	vst v63  }
0x86: {  	s22 =	simm.s32 $0x13100  }
0x87: {  	[tilespmem:s22], [sflag:$0x5] =	stream.indirect_vreg.gather [hbm4b:s6+s3], $0x80, v3, vm0, $0xb8;
	[tilespmem:$0x1C100] =	vst v63  }
0x88: {  	s13 =	simm.s32 $0x13900  }
0x89: {  	[tilespmem:s13], [sflag:$0x5] =	stream.indirect_vreg.gather [hbm4b:s7+s3], $0x80, v3, vm0, $0xb8;
	[tilespmem:$0x1C100] =	vst v63  }
0x8a: {  	v3 =	vld [tilespmem:$0x50];
	_ =	sdelay $0x4  }
0x8b: {  	v53 =	vshll.u32 v3, $0x3  }
0x8c: {  	v3 =	vand.u32 $0x7, v3;
	v4 =	vand.u32 $0xFFFFFFC0, v53  }
0x8d: {  	v3 =	vor.u32 v3, v4  }
0x8e: {  	v4 =	vperm.xlane v3, v0;
	_ =	sdelay $0x1  }
0x8f: {  	v4 =	vadd.s32 v1, v4;
	_ =	sdelay $0x3  }
0x90: {  	s20 =	simm.s32 $0x14100  }
0x91: {  	[tilespmem:s20], [sflag:$0x6] =	stream.indirect_vreg.gather [hbm4b:s2+s3], $0x80, v4, vm0, $0xb8;
	[tilespmem:$0x1C100] =	vst v63  }
0x92: {  	s22 =	simm.s32 $0x14900;
	v3 =	vperm.xlane v3, v2  }
0x93: {  	[tilespmem:s22], [sflag:$0x6] =	stream.indirect_vreg.gather [hbm4b:s5+s3], $0x80, v4, vm0, $0xb8;
	[tilespmem:$0x1C100] =	vst v63  }
0x94: {  	s13 =	simm.s32 $0x15100;
	v3 =	vadd.s32 v1, v3  }
0x95: {  	[tilespmem:s13], [sflag:$0x6] =	stream.indirect_vreg.gather [hbm4b:s6+s3], $0x80, v4, vm0, $0xb8;
	[tilespmem:$0x1C100] =	vst v63  }
0x96: {  	s20 =	simm.s32 $0x15900  }
0x97: {  	[tilespmem:s20], [sflag:$0x6] =	stream.indirect_vreg.gather [hbm4b:s7+s3], $0x80, v4, vm0, $0xb8;
	[tilespmem:$0x1C100] =	vst v63  }
0x98: {  	s22 =	simm.s32 $0x16100  }
0x99: {  	[tilespmem:s22], [sflag:$0x6] =	stream.indirect_vreg.gather [hbm4b:s2+s3], $0x80, v3, vm0, $0xb8;
	[tilespmem:$0x1C100] =	vst v63  }
0x9a: {  	s13 =	simm.s32 $0x16900  }
0x9b: {  	[tilespmem:s13], [sflag:$0x6] =	stream.indirect_vreg.gather [hbm4b:s5+s3], $0x80, v3, vm0, $0xb8;
	[tilespmem:$0x1C100] =	vst v63  }
0x9c: {  	s20 =	simm.s32 $0x17100  }
0x9d: {  	[tilespmem:s20], [sflag:$0x6] =	stream.indirect_vreg.gather [hbm4b:s6+s3], $0x80, v3, vm0, $0xb8;
	[tilespmem:$0x1C100] =	vst v63  }
0x9e: {  	s22 =	simm.s32 $0x17900  }
0x9f: {  	[tilespmem:s22], [sflag:$0x6] =	stream.indirect_vreg.gather [hbm4b:s7+s3], $0x80, v3, vm0, $0xb8;
	[tilespmem:$0x1C100] =	vst v63  }
0xa0: {  	_ =	swait.ge [sflag:s12], $0x4000  }
0xa1: {  	[sflag:s12] =	ssyncset.done $0x0  }
0xa2: {  	s13 =	rddreg [dreg:$0x14];
	[sflag:s12] =	ssyncadd.s32 $0xFFFFC000  }
0xa3: {  	[hbm4b:s13+s3] =	stream.linear.scatter [tilespmem:s18], [sflag:$0x8], $0x4000, $0x38;
	[tilespmem:$0x1C100] =	vst v63  }
0xa4: {  	v3 =	vld [tilespmem:$0x60];
	_ =	sdelay $0x4  }
0xa5: {  	v54 =	vshll.u32 v3, $0x3  }
0xa6: {  	v3 =	vand.u32 $0x7, v3;
	v4 =	vand.u32 $0xFFFFFFC0, v54  }
0xa7: {  	v3 =	vor.u32 v3, v4  }
0xa8: {  	v4 =	vperm.xlane v3, v0;
	_ =	sdelay $0x1  }
0xa9: {  	v4 =	vadd.s32 v1, v4;
	_ =	sdelay $0x3  }
0xaa: {  	s9 =	simm.s32 $0x18100  }
0xab: {  	[tilespmem:s9], [sflag:$0x7] =	stream.indirect_vreg.gather [hbm4b:s2+s3], $0x80, v4, vm0, $0xb8;
	[tilespmem:$0x1C100] =	vst v63  }
0xac: {  	s13 =	simm.s32 $0x18900;
	v3 =	vperm.xlane v3, v2  }
0xad: {  	[tilespmem:s13], [sflag:$0x7] =	stream.indirect_vreg.gather [hbm4b:s5+s3], $0x80, v4, vm0, $0xb8;
	[tilespmem:$0x1C100] =	vst v63  }
0xae: {  	s20 =	simm.s32 $0x19100;
	v3 =	vadd.s32 v1, v3  }
0xaf: {  	[tilespmem:s20], [sflag:$0x7] =	stream.indirect_vreg.gather [hbm4b:s6+s3], $0x80, v4, vm0, $0xb8;
	[tilespmem:$0x1C100] =	vst v63  }
0xb0: {  	s22 =	simm.s32 $0x19900  }
0xb1: {  	[tilespmem:s22], [sflag:$0x7] =	stream.indirect_vreg.gather [hbm4b:s7+s3], $0x80, v4, vm0, $0xb8;
	[tilespmem:$0x1C100] =	vst v63  }
0xb2: {  	s20 =	simm.s32 $0x1A100  }
0xb3: {  	[tilespmem:s20], [sflag:$0x7] =	stream.indirect_vreg.gather [hbm4b:s2+s3], $0x80, v3, vm0, $0xb8;
	[tilespmem:$0x1C100] =	vst v63  }
0xb4: {  	s22 =	simm.s32 $0x1A900  }
0xb5: {  	[tilespmem:s22], [sflag:$0x7] =	stream.indirect_vreg.gather [hbm4b:s5+s3], $0x80, v3, vm0, $0xb8;
	[tilespmem:$0x1C100] =	vst v63  }
0xb6: {  	s20 =	simm.s32 $0x1B100  }
0xb7: {  	[tilespmem:s20], [sflag:$0x7] =	stream.indirect_vreg.gather [hbm4b:s6+s3], $0x80, v3, vm0, $0xb8;
	[tilespmem:$0x1C100] =	vst v63  }
0xb8: {  	s22 =	simm.s32 $0x1B900  }
0xb9: {  	[tilespmem:s22], [sflag:$0x7] =	stream.indirect_vreg.gather [hbm4b:s7+s3], $0x80, v3, vm0, $0xb8;
	[tilespmem:$0x1C100] =	vst v63  }
0xba: {  	_ =	swait.ge [sflag:s0], $0x4000  }
0xbb: {  	[sflag:s0] =	ssyncset.done $0x0  }
0xbc: {  	s20 =	rddreg [dreg:$0x5];
	[sflag:s0] =	ssyncadd.s32 $0xFFFFC000  }
0xbd: {  	[hbm4b:s20+s3] =	stream.linear.scatter [tilespmem:s1], [sflag:$0x9], $0x4000, $0x38;
	[tilespmem:$0x1C100] =	vst v63  }
0xbe: {  	_ =	swait.ge [sflag:s4], $0x4000  }
0xbf: {  	[sflag:s4] =	ssyncset.done $0x0  }
0xc0: {  	[sflag:s4] =	ssyncadd.s32 $0xFFFFC000  }
0xc1: {  	v3 =	vld [tilespmem:$0x70];
	_ =	sdelay $0x4  }
0xc2: {  	v55 =	vshll.u32 v3, $0x3  }
0xc3: {  	v3 =	vand.u32 $0x7, v3;
	v4 =	vand.u32 $0xFFFFFFC0, v55  }
0xc4: {  	v3 =	vor.u32 v3, v4  }
0xc5: {  	v4 =	vperm.xlane v3, v0;
	_ =	sdelay $0x1  }
0xc6: {  	v4 =	vadd.s32 v1, v4;
	_ =	sdelay $0x4  }
0xc7: {  	[tilespmem:s18], [sflag:$0x1] =	stream.indirect_vreg.gather [hbm4b:s2+s3], $0x80, v4, vm0, $0xb8;
	[tilespmem:$0x1C100] =	vst v63  }
0xc8: {  	s21 =	simm.s32 $0x900;
	v3 =	vperm.xlane v3, v2  }
0xc9: {  	[tilespmem:s21], [sflag:$0x1] =	stream.indirect_vreg.gather [hbm4b:s5+s3], $0x80, v4, vm0, $0xb8;
	[tilespmem:$0x1C100] =	vst v63  }
0xca: {  	s22 =	simm.s32 $0x1100;
	v3 =	vadd.s32 v1, v3  }
0xcb: {  	[tilespmem:s22], [sflag:$0x1] =	stream.indirect_vreg.gather [hbm4b:s6+s3], $0x80, v4, vm0, $0xb8;
	[tilespmem:$0x1C100] =	vst v63  }
0xcc: {  	s13 =	simm.s32 $0x1900  }
0xcd: {  	[tilespmem:s13], [sflag:$0x1] =	stream.indirect_vreg.gather [hbm4b:s7+s3], $0x80, v4, vm0, $0xb8;
	[tilespmem:$0x1C100] =	vst v63  }
0xce: {  	s31 =	simm.s32 $0x2100  }
0xcf: {  	[tilespmem:s31], [sflag:$0x1] =	stream.indirect_vreg.gather [hbm4b:s2+s3], $0x80, v3, vm0, $0xb8;
	[tilespmem:$0x1C100] =	vst v63  }
0xd0: {  	s20 =	simm.s32 $0x2900  }
0xd1: {  	[tilespmem:s20], [sflag:$0x1] =	stream.indirect_vreg.gather [hbm4b:s5+s3], $0x80, v3, vm0, $0xb8;
	[tilespmem:$0x1C100] =	vst v63  }
0xd2: {  	s22 =	simm.s32 $0x3100  }
0xd3: {  	[tilespmem:s22], [sflag:$0x1] =	stream.indirect_vreg.gather [hbm4b:s6+s3], $0x80, v3, vm0, $0xb8;
	[tilespmem:$0x1C100] =	vst v63  }
0xd4: {  	s28 =	simm.s32 $0x3900  }
0xd5: {  	[tilespmem:s28], [sflag:$0x1] =	stream.indirect_vreg.gather [hbm4b:s7+s3], $0x80, v3, vm0, $0xb8;
	[tilespmem:$0x1C100] =	vst v63  }
0xd6: {  	s28 =	simm.s32 $0x3  }
0xd7: {  	_ =	swait.ge [sflag:s28], $0x4000  }
0xd8: {  	[sflag:s28] =	ssyncset.done $0x0  }
0xd9: {  	s20 =	simm.s32 $0x8100;
	s31 =	rddreg [dreg:$0x6];
	[sflag:s28] =	ssyncadd.s32 $0xFFFFC000  }
0xda: {  	[hbm4b:s31+s3] =	stream.linear.scatter [tilespmem:s20], [sflag:$0xA], $0x4000, $0x38;
	[tilespmem:$0x1C100] =	vst v63  }
0xdb: {  	_ =	swait.ge [sflag:s11], $0x4000  }
0xdc: {  	[sflag:s11] =	ssyncset.done $0x0  }
0xdd: {  	[sflag:s11] =	ssyncadd.s32 $0xFFFFC000  }
0xde: {  	v3 =	vld [tilespmem:$0x80];
	_ =	sdelay $0x4  }
0xdf: {  	v56 =	vshll.u32 v3, $0x3  }
0xe0: {  	v3 =	vand.u32 $0x7, v3;
	v4 =	vand.u32 $0xFFFFFFC0, v56  }
0xe1: {  	v3 =	vor.u32 v3, v4  }
0xe2: {  	v4 =	vperm.xlane v3, v0;
	_ =	sdelay $0x1  }
0xe3: {  	v4 =	vadd.s32 v1, v4;
	_ =	sdelay $0x4  }
0xe4: {  	[tilespmem:s1], [sflag:$0x2] =	stream.indirect_vreg.gather [hbm4b:s2+s3], $0x80, v4, vm0, $0xb8;
	[tilespmem:$0x1C100] =	vst v63  }
0xe5: {  	s13 =	simm.s32 $0x4900;
	v3 =	vperm.xlane v3, v2  }
0xe6: {  	[tilespmem:s13], [sflag:$0x2] =	stream.indirect_vreg.gather [hbm4b:s5+s3], $0x80, v4, vm0, $0xb8;
	[tilespmem:$0x1C100] =	vst v63  }
0xe7: {  	s22 =	simm.s32 $0x5100;
	v3 =	vadd.s32 v1, v3  }
0xe8: {  	[tilespmem:s22], [sflag:$0x2] =	stream.indirect_vreg.gather [hbm4b:s6+s3], $0x80, v4, vm0, $0xb8;
	[tilespmem:$0x1C100] =	vst v63  }
0xe9: {  	s31 =	simm.s32 $0x5900  }
0xea: {  	[tilespmem:s31], [sflag:$0x2] =	stream.indirect_vreg.gather [hbm4b:s7+s3], $0x80, v4, vm0, $0xb8;
	[tilespmem:$0x1C100] =	vst v63  }
0xeb: {  	s13 =	simm.s32 $0x6100  }
0xec: {  	[tilespmem:s13], [sflag:$0x2] =	stream.indirect_vreg.gather [hbm4b:s2+s3], $0x80, v3, vm0, $0xb8;
	[tilespmem:$0x1C100] =	vst v63  }
0xed: {  	s22 =	simm.s32 $0x6900  }
0xee: {  	[tilespmem:s22], [sflag:$0x2] =	stream.indirect_vreg.gather [hbm4b:s5+s3], $0x80, v3, vm0, $0xb8;
	[tilespmem:$0x1C100] =	vst v63  }
0xef: {  	s31 =	simm.s32 $0x7100  }
0xf0: {  	[tilespmem:s31], [sflag:$0x2] =	stream.indirect_vreg.gather [hbm4b:s6+s3], $0x80, v3, vm0, $0xb8;
	[tilespmem:$0x1C100] =	vst v63  }
0xf1: {  	s13 =	simm.s32 $0x7900;
	s31 =	simm.s32 $0x4  }
0xf2: {  	[tilespmem:s13], [sflag:$0x2] =	stream.indirect_vreg.gather [hbm4b:s7+s3], $0x80, v3, vm0, $0xb8;
	[tilespmem:$0x1C100] =	vst v63  }
0xf3: {  	_ =	swait.ge [sflag:s31], $0x4000  }
0xf4: {  	[sflag:s31] =	ssyncset.done $0x0  }
0xf5: {  	s13 =	simm.s32 $0xC100;
	s21 =	rddreg [dreg:$0x7];
	[sflag:s31] =	ssyncadd.s32 $0xFFFFC000  }
0xf6: {  	[hbm4b:s21+s3] =	stream.linear.scatter [tilespmem:s13], [sflag:$0xB], $0x4000, $0x38;
	[tilespmem:$0x1C100] =	vst v63  }
0xf7: {  	s21 =	simm.s32 $0xA  }
0xf8: {  	_ =	swait.ge [sflag:s21], $0x4000  }
0xf9: {  	[sflag:s21] =	ssyncset.done $0x0  }
0xfa: {  	[sflag:s21] =	ssyncadd.s32 $0xFFFFC000  }
0xfb: {  	v3 =	vld [tilespmem:$0x90];
	_ =	sdelay $0x4  }
0xfc: {  	v57 =	vshll.u32 v3, $0x3  }
0xfd: {  	v3 =	vand.u32 $0x7, v3;
	v4 =	vand.u32 $0xFFFFFFC0, v57  }
0xfe: {  	v3 =	vor.u32 v3, v4  }
0xff: {  	v4 =	vperm.xlane v3, v0;
	_ =	sdelay $0x1  }
0x100: {  	v4 =	vadd.s32 v1, v4;
	_ =	sdelay $0x4  }
0x101: {  	[tilespmem:s20], [sflag:$0x3] =	stream.indirect_vreg.gather [hbm4b:s2+s3], $0x80, v4, vm0, $0xb8;
	[tilespmem:$0x1C100] =	vst v63  }
0x102: {  	v3 =	vperm.xlane v3, v2  }
0x103: {  	[tilespmem:s30], [sflag:$0x3] =	stream.indirect_vreg.gather [hbm4b:s5+s3], $0x80, v4, vm0, $0xb8;
	[tilespmem:$0x1C100] =	vst v63  }
0x104: {  	v3 =	vadd.s32 v1, v3  }
0x105: {  	[tilespmem:s10], [sflag:$0x3] =	stream.indirect_vreg.gather [hbm4b:s6+s3], $0x80, v4, vm0, $0xb8;
	[tilespmem:$0x1C100] =	vst v63  }
0x106: {  	_ = 	snop  }
0x107: {  	[tilespmem:s23], [sflag:$0x3] =	stream.indirect_vreg.gather [hbm4b:s7+s3], $0x80, v4, vm0, $0xb8;
	[tilespmem:$0x1C100] =	vst v63  }
0x108: {  	_ = 	snop  }
0x109: {  	[tilespmem:s24], [sflag:$0x3] =	stream.indirect_vreg.gather [hbm4b:s2+s3], $0x80, v3, vm0, $0xb8;
	[tilespmem:$0x1C100] =	vst v63  }
0x10a: {  	_ = 	snop  }
0x10b: {  	[tilespmem:s25], [sflag:$0x3] =	stream.indirect_vreg.gather [hbm4b:s5+s3], $0x80, v3, vm0, $0xb8;
	[tilespmem:$0x1C100] =	vst v63  }
0x10c: {  	_ = 	snop  }
0x10d: {  	[tilespmem:s26], [sflag:$0x3] =	stream.indirect_vreg.gather [hbm4b:s6+s3], $0x80, v3, vm0, $0xb8;
	[tilespmem:$0x1C100] =	vst v63  }
0x10e: {  	s10 =	simm.s32 $0x5  }
0x10f: {  	[tilespmem:s29], [sflag:$0x3] =	stream.indirect_vreg.gather [hbm4b:s7+s3], $0x80, v3, vm0, $0xb8;
	[tilespmem:$0x1C100] =	vst v63  }
0x110: {  	_ =	swait.ge [sflag:s10], $0x4000  }
0x111: {  	s20 =	simm.s32 $0x10100;
	[sflag:s10] =	ssyncset.done $0x0  }
0x112: {  	s23 =	simm.s32 $0xB;
	s25 =	rddreg [dreg:$0x8];
	[sflag:s10] =	ssyncadd.s32 $0xFFFFC000  }
0x113: {  	[hbm4b:s25+s3] =	stream.linear.scatter [tilespmem:s20], [sflag:$0xC], $0x4000, $0x38;
	[tilespmem:$0x1C100] =	vst v63  }
0x114: {  	_ =	swait.ge [sflag:s23], $0x4000  }
0x115: {  	[sflag:s23] =	ssyncset.done $0x0  }
0x116: {  	[sflag:s23] =	ssyncadd.s32 $0xFFFFC000  }
0x117: {  	v3 =	vld [tilespmem:$0xA0];
	_ =	sdelay $0x4  }
0x118: {  	v58 =	vshll.u32 v3, $0x3  }
0x119: {  	v3 =	vand.u32 $0x7, v3;
	v4 =	vand.u32 $0xFFFFFFC0, v58  }
0x11a: {  	v3 =	vor.u32 v3, v4  }
0x11b: {  	v4 =	vperm.xlane v3, v0;
	_ =	sdelay $0x1  }
0x11c: {  	v4 =	vadd.s32 v1, v4;
	_ =	sdelay $0x4  }
0x11d: {  	[tilespmem:s13], [sflag:$0x4] =	stream.indirect_vreg.gather [hbm4b:s2+s3], $0x80, v4, vm0, $0xb8;
	[tilespmem:$0x1C100] =	vst v63  }
0x11e: {  	s22 =	simm.s32 $0xC900;
	v3 =	vperm.xlane v3, v2  }
0x11f: {  	[tilespmem:s22], [sflag:$0x4] =	stream.indirect_vreg.gather [hbm4b:s5+s3], $0x80, v4, vm0, $0xb8;
	[tilespmem:$0x1C100] =	vst v63  }
0x120: {  	s25 =	simm.s32 $0xD100;
	v3 =	vadd.s32 v1, v3  }
0x121: {  	[tilespmem:s25], [sflag:$0x4] =	stream.indirect_vreg.gather [hbm4b:s6+s3], $0x80, v4, vm0, $0xb8;
	[tilespmem:$0x1C100] =	vst v63  }
0x122: {  	_ = 	snop  }
0x123: {  	[tilespmem:s14], [sflag:$0x4] =	stream.indirect_vreg.gather [hbm4b:s7+s3], $0x80, v4, vm0, $0xb8;
	[tilespmem:$0x1C100] =	vst v63  }
0x124: {  	_ = 	snop  }
0x125: {  	[tilespmem:s15], [sflag:$0x4] =	stream.indirect_vreg.gather [hbm4b:s2+s3], $0x80, v3, vm0, $0xb8;
	[tilespmem:$0x1C100] =	vst v63  }
0x126: {  	_ = 	snop  }
0x127: {  	[tilespmem:s16], [sflag:$0x4] =	stream.indirect_vreg.gather [hbm4b:s5+s3], $0x80, v3, vm0, $0xb8;
	[tilespmem:$0x1C100] =	vst v63  }
0x128: {  	_ = 	snop  }
0x129: {  	[tilespmem:s17], [sflag:$0x4] =	stream.indirect_vreg.gather [hbm4b:s6+s3], $0x80, v3, vm0, $0xb8;
	[tilespmem:$0x1C100] =	vst v63  }
0x12a: {  	s14 =	simm.s32 $0x6  }
0x12b: {  	[tilespmem:s19], [sflag:$0x4] =	stream.indirect_vreg.gather [hbm4b:s7+s3], $0x80, v3, vm0, $0xb8;
	[tilespmem:$0x1C100] =	vst v63  }
0x12c: {  	_ =	swait.ge [sflag:s14], $0x4000  }
0x12d: {  	s15 =	simm.s32 $0xC;
	[sflag:s14] =	ssyncset.done $0x0  }
0x12e: {  	s19 =	simm.s32 $0x14100;
	s17 =	rddreg [dreg:$0x9];
	[sflag:s14] =	ssyncadd.s32 $0xFFFFC000  }
0x12f: {  	[hbm4b:s17+s3] =	stream.linear.scatter [tilespmem:s19], [sflag:$0xD], $0x4000, $0x38;
	[tilespmem:$0x1C100] =	vst v63  }
0x130: {  	_ =	swait.ge [sflag:s15], $0x4000  }
0x131: {  	[sflag:s15] =	ssyncset.done $0x0  }
0x132: {  	[sflag:s15] =	ssyncadd.s32 $0xFFFFC000  }
0x133: {  	v3 =	vld [tilespmem:$0xB0];
	_ =	sdelay $0x4  }
0x134: {  	v59 =	vshll.u32 v3, $0x3  }
0x135: {  	v3 =	vand.u32 $0x7, v3;
	v4 =	vand.u32 $0xFFFFFFC0, v59  }
0x136: {  	v3 =	vor.u32 v3, v4  }
0x137: {  	v4 =	vperm.xlane v3, v0;
	_ =	sdelay $0x1  }
0x138: {  	v4 =	vadd.s32 v1, v4;
	_ =	sdelay $0x4  }
0x139: {  	[tilespmem:s20], [sflag:$0x5] =	stream.indirect_vreg.gather [hbm4b:s2+s3], $0x80, v4, vm0, $0xb8;
	[tilespmem:$0x1C100] =	vst v63  }
0x13a: {  	s22 =	simm.s32 $0x10900;
	v3 =	vperm.xlane v3, v2  }
0x13b: {  	[tilespmem:s22], [sflag:$0x5] =	stream.indirect_vreg.gather [hbm4b:s5+s3], $0x80, v4, vm0, $0xb8;
	[tilespmem:$0x1C100] =	vst v63  }
0x13c: {  	s25 =	simm.s32 $0x11100;
	v3 =	vadd.s32 v1, v3  }
0x13d: {  	[tilespmem:s25], [sflag:$0x5] =	stream.indirect_vreg.gather [hbm4b:s6+s3], $0x80, v4, vm0, $0xb8;
	[tilespmem:$0x1C100] =	vst v63  }
0x13e: {  	s17 =	simm.s32 $0x11900  }
0x13f: {  	[tilespmem:s17], [sflag:$0x5] =	stream.indirect_vreg.gather [hbm4b:s7+s3], $0x80, v4, vm0, $0xb8;
	[tilespmem:$0x1C100] =	vst v63  }
0x140: {  	s20 =	simm.s32 $0x12100  }
0x141: {  	[tilespmem:s20], [sflag:$0x5] =	stream.indirect_vreg.gather [hbm4b:s2+s3], $0x80, v3, vm0, $0xb8;
	[tilespmem:$0x1C100] =	vst v63  }
0x142: {  	s22 =	simm.s32 $0x12900  }
0x143: {  	[tilespmem:s22], [sflag:$0x5] =	stream.indirect_vreg.gather [hbm4b:s5+s3], $0x80, v3, vm0, $0xb8;
	[tilespmem:$0x1C100] =	vst v63  }
0x144: {  	s25 =	simm.s32 $0x13100  }
0x145: {  	[tilespmem:s25], [sflag:$0x5] =	stream.indirect_vreg.gather [hbm4b:s6+s3], $0x80, v3, vm0, $0xb8;
	[tilespmem:$0x1C100] =	vst v63  }
0x146: {  	s16 =	simm.s32 $0x7;
	s17 =	simm.s32 $0x13900  }
0x147: {  	[tilespmem:s17], [sflag:$0x5] =	stream.indirect_vreg.gather [hbm4b:s7+s3], $0x80, v3, vm0, $0xb8;
	[tilespmem:$0x1C100] =	vst v63  }
0x148: {  	_ =	swait.ge [sflag:s16], $0x4000  }
0x149: {  	[sflag:s16] =	ssyncset.done $0x0  }
0x14a: {  	s17 =	simm.s32 $0xD;
	s20 =	rddreg [dreg:$0xa];
	[sflag:s16] =	ssyncadd.s32 $0xFFFFC000  }
0x14b: {  	[hbm4b:s20+s3] =	stream.linear.scatter [tilespmem:s9], [sflag:$0xE], $0x4000, $0x38;
	[tilespmem:$0x1C100] =	vst v63  }
0x14c: {  	_ =	swait.ge [sflag:s17], $0x4000  }
0x14d: {  	[sflag:s17] =	ssyncset.done $0x0  }
0x14e: {  	[sflag:s17] =	ssyncadd.s32 $0xFFFFC000  }
0x14f: {  	v3 =	vld [tilespmem:$0xC0];
	_ =	sdelay $0x4  }
0x150: {  	v60 =	vshll.u32 v3, $0x3  }
0x151: {  	v3 =	vand.u32 $0x7, v3;
	v4 =	vand.u32 $0xFFFFFFC0, v60  }
0x152: {  	v3 =	vor.u32 v3, v4  }
0x153: {  	v4 =	vperm.xlane v3, v0;
	_ =	sdelay $0x1  }
0x154: {  	v4 =	vadd.s32 v1, v4;
	_ =	sdelay $0x4  }
0x155: {  	[tilespmem:s19], [sflag:$0x6] =	stream.indirect_vreg.gather [hbm4b:s2+s3], $0x80, v4, vm0, $0xb8;
	[tilespmem:$0x1C100] =	vst v63  }
0x156: {  	s25 =	simm.s32 $0x14900;
	v3 =	vperm.xlane v3, v2  }
0x157: {  	[tilespmem:s25], [sflag:$0x6] =	stream.indirect_vreg.gather [hbm4b:s5+s3], $0x80, v4, vm0, $0xb8;
	[tilespmem:$0x1C100] =	vst v63  }
0x158: {  	s22 =	simm.s32 $0x15100;
	v3 =	vadd.s32 v1, v3  }
0x159: {  	[tilespmem:s22], [sflag:$0x6] =	stream.indirect_vreg.gather [hbm4b:s6+s3], $0x80, v4, vm0, $0xb8;
	[tilespmem:$0x1C100] =	vst v63  }
0x15a: {  	s25 =	simm.s32 $0x15900  }
0x15b: {  	[tilespmem:s25], [sflag:$0x6] =	stream.indirect_vreg.gather [hbm4b:s7+s3], $0x80, v4, vm0, $0xb8;
	[tilespmem:$0x1C100] =	vst v63  }
0x15c: {  	s22 =	simm.s32 $0x16100  }
0x15d: {  	[tilespmem:s22], [sflag:$0x6] =	stream.indirect_vreg.gather [hbm4b:s2+s3], $0x80, v3, vm0, $0xb8;
	[tilespmem:$0x1C100] =	vst v63  }
0x15e: {  	s25 =	simm.s32 $0x16900  }
0x15f: {  	[tilespmem:s25], [sflag:$0x6] =	stream.indirect_vreg.gather [hbm4b:s5+s3], $0x80, v3, vm0, $0xb8;
	[tilespmem:$0x1C100] =	vst v63  }
0x160: {  	s22 =	simm.s32 $0x17100  }
0x161: {  	[tilespmem:s22], [sflag:$0x6] =	stream.indirect_vreg.gather [hbm4b:s6+s3], $0x80, v3, vm0, $0xb8;
	[tilespmem:$0x1C100] =	vst v63  }
0x162: {  	s25 =	simm.s32 $0x17900  }
0x163: {  	[tilespmem:s25], [sflag:$0x6] =	stream.indirect_vreg.gather [hbm4b:s7+s3], $0x80, v3, vm0, $0xb8;
	[tilespmem:$0x1C100] =	vst v63  }
0x164: {  	_ =	swait.ge [sflag:s12], $0x4000  }
0x165: {  	[sflag:s12] =	ssyncset.done $0x0  }
0x166: {  	s19 =	rddreg [dreg:$0xb];
	[sflag:s12] =	ssyncadd.s32 $0xFFFFC000  }
0x167: {  	[hbm4b:s19+s3] =	stream.linear.scatter [tilespmem:s18], [sflag:$0x8], $0x4000, $0x38;
	[tilespmem:$0x1C100] =	vst v63  }
0x168: {  	s19 =	simm.s32 $0xE  }
0x169: {  	_ =	swait.ge [sflag:s19], $0x4000  }
0x16a: {  	[sflag:s19] =	ssyncset.done $0x0  }
0x16b: {  	[sflag:s19] =	ssyncadd.s32 $0xFFFFC000  }
0x16c: {  	v3 =	vld [tilespmem:$0xD0];
	_ =	sdelay $0x4  }
0x16d: {  	v61 =	vshll.u32 v3, $0x3  }
0x16e: {  	v3 =	vand.u32 $0x7, v3;
	v4 =	vand.u32 $0xFFFFFFC0, v61  }
0x16f: {  	v3 =	vor.u32 v3, v4  }
0x170: {  	v4 =	vperm.xlane v3, v0;
	_ =	sdelay $0x1  }
0x171: {  	v4 =	vadd.s32 v1, v4;
	_ =	sdelay $0x4  }
0x172: {  	[tilespmem:s9], [sflag:$0x7] =	stream.indirect_vreg.gather [hbm4b:s2+s3], $0x80, v4, vm0, $0xb8;
	[tilespmem:$0x1C100] =	vst v63  }
0x173: {  	s25 =	simm.s32 $0x18900;
	v3 =	vperm.xlane v3, v2  }
0x174: {  	[tilespmem:s25], [sflag:$0x7] =	stream.indirect_vreg.gather [hbm4b:s5+s3], $0x80, v4, vm0, $0xb8;
	[tilespmem:$0x1C100] =	vst v63  }
0x175: {  	v3 =	vadd.s32 v1, v3;
	s25 =	simm.s32 $0x19100  }
0x176: {  	[tilespmem:s25], [sflag:$0x7] =	stream.indirect_vreg.gather [hbm4b:s6+s3], $0x80, v4, vm0, $0xb8;
	[tilespmem:$0x1C100] =	vst v63  }
0x177: {  	s25 =	simm.s32 $0x19900  }
0x178: {  	[tilespmem:s25], [sflag:$0x7] =	stream.indirect_vreg.gather [hbm4b:s7+s3], $0x80, v4, vm0, $0xb8;
	[tilespmem:$0x1C100] =	vst v63  }
0x179: {  	s25 =	simm.s32 $0x1A100  }
0x17a: {  	[tilespmem:s25], [sflag:$0x7] =	stream.indirect_vreg.gather [hbm4b:s2+s3], $0x80, v3, vm0, $0xb8;
	[tilespmem:$0x1C100] =	vst v63  }
0x17b: {  	s25 =	simm.s32 $0x1A900  }
0x17c: {  	[tilespmem:s25], [sflag:$0x7] =	stream.indirect_vreg.gather [hbm4b:s5+s3], $0x80, v3, vm0, $0xb8;
	[tilespmem:$0x1C100] =	vst v63  }
0x17d: {  	s25 =	simm.s32 $0x1B100  }
0x17e: {  	[tilespmem:s25], [sflag:$0x7] =	stream.indirect_vreg.gather [hbm4b:s6+s3], $0x80, v3, vm0, $0xb8;
	[tilespmem:$0x1C100] =	vst v63  }
0x17f: {  	s25 =	simm.s32 $0x1B900  }
0x180: {  	[tilespmem:s25], [sflag:$0x7] =	stream.indirect_vreg.gather [hbm4b:s7+s3], $0x80, v3, vm0, $0xb8;
	[tilespmem:$0x1C100] =	vst v63  }
0x181: {  	_ =	swait.ge [sflag:s0], $0x4000  }
0x182: {  	[sflag:s0] =	ssyncset.done $0x0  }
0x183: {  	s25 =	rddreg [dreg:$0xc];
	[sflag:s0] =	ssyncadd.s32 $0xFFFFC000  }
0x184: {  	[hbm4b:s25+s3] =	stream.linear.scatter [tilespmem:s1], [sflag:$0x9], $0x4000, $0x38;
	[tilespmem:$0x1C100] =	vst v63  }
0x185: {  	_ =	swait.ge [sflag:s4], $0x4000  }
0x186: {  	[sflag:s4] =	ssyncset.done $0x0  }
0x187: {  	[sflag:s4] =	ssyncadd.s32 $0xFFFFC000  }
0x188: {  	v3 =	vld [tilespmem:$0xE0];
	_ =	sdelay $0x4  }
0x189: {  	v62 =	vshll.u32 v3, $0x3  }
0x18a: {  	v3 =	vand.u32 $0x7, v3;
	v4 =	vand.u32 $0xFFFFFFC0, v62  }
0x18b: {  	v3 =	vor.u32 v3, v4  }
0x18c: {  	v4 =	vperm.xlane v3, v0;
	_ =	sdelay $0x1  }
0x18d: {  	v4 =	vadd.s32 v1, v4;
	_ =	sdelay $0x4  }
0x18e: {  	[tilespmem:s18], [sflag:$0x1] =	stream.indirect_vreg.gather [hbm4b:s2+s3], $0x80, v4, vm0, $0xb8;
	[tilespmem:$0x1C100] =	vst v63  }
0x18f: {  	s25 =	simm.s32 $0x900;
	v3 =	vperm.xlane v3, v2  }
0x190: {  	[tilespmem:s25], [sflag:$0x1] =	stream.indirect_vreg.gather [hbm4b:s5+s3], $0x80, v4, vm0, $0xb8;
	[tilespmem:$0x1C100] =	vst v63  }
0x191: {  	v3 =	vadd.s32 v1, v3;
	s25 =	simm.s32 $0x1100  }
0x192: {  	[tilespmem:s25], [sflag:$0x1] =	stream.indirect_vreg.gather [hbm4b:s6+s3], $0x80, v4, vm0, $0xb8;
	[tilespmem:$0x1C100] =	vst v63  }
0x193: {  	s25 =	simm.s32 $0x1900  }
0x194: {  	[tilespmem:s25], [sflag:$0x1] =	stream.indirect_vreg.gather [hbm4b:s7+s3], $0x80, v4, vm0, $0xb8;
	[tilespmem:$0x1C100] =	vst v63  }
0x195: {  	s25 =	simm.s32 $0x2100  }
0x196: {  	[tilespmem:s25], [sflag:$0x1] =	stream.indirect_vreg.gather [hbm4b:s2+s3], $0x80, v3, vm0, $0xb8;
	[tilespmem:$0x1C100] =	vst v63  }
0x197: {  	s25 =	simm.s32 $0x2900  }
0x198: {  	[tilespmem:s25], [sflag:$0x1] =	stream.indirect_vreg.gather [hbm4b:s5+s3], $0x80, v3, vm0, $0xb8;
	[tilespmem:$0x1C100] =	vst v63  }
0x199: {  	s25 =	simm.s32 $0x3100  }
0x19a: {  	[tilespmem:s25], [sflag:$0x1] =	stream.indirect_vreg.gather [hbm4b:s6+s3], $0x80, v3, vm0, $0xb8;
	[tilespmem:$0x1C100] =	vst v63  }
0x19b: {  	s25 =	simm.s32 $0x3900  }
0x19c: {  	[tilespmem:s25], [sflag:$0x1] =	stream.indirect_vreg.gather [hbm4b:s7+s3], $0x80, v3, vm0, $0xb8;
	[tilespmem:$0x1C100] =	vst v63  }
0x19d: {  	_ =	swait.ge [sflag:s28], $0x4000  }
0x19e: {  	[sflag:s28] =	ssyncset.done $0x0  }
0x19f: {  	s25 =	rddreg [dreg:$0xd];
	[sflag:s28] =	ssyncadd.s32 $0xFFFFC000;
	s28 =	simm.s32 $0x8100  }
0x1a0: {  	[hbm4b:s25+s3] =	stream.linear.scatter [tilespmem:s28], [sflag:$0xA], $0x4000, $0x38;
	[tilespmem:$0x1C100] =	vst v63  }
0x1a1: {  	_ =	swait.ge [sflag:s11], $0x4000  }
0x1a2: {  	[sflag:s11] =	ssyncset.done $0x0  }
0x1a3: {  	[sflag:s11] =	ssyncadd.s32 $0xFFFFC000  }
0x1a4: {  	v3 =	vld [tilespmem:$0xF0];
	_ =	sdelay $0x4  }
0x1a5: {  	v63 =	vshll.u32 v3, $0x3  }
0x1a6: {  	v3 =	vand.u32 $0x7, v3;
	v4 =	vand.u32 $0xFFFFFFC0, v63  }
0x1a7: {  	v3 =	vor.u32 v3, v4  }
0x1a8: {  	v4 =	vperm.xlane v3, v0;
	_ =	sdelay $0x1  }
0x1a9: {  	v4 =	vadd.s32 v1, v4;
	_ =	sdelay $0x4  }
0x1aa: {  	[tilespmem:s1], [sflag:$0x2] =	stream.indirect_vreg.gather [hbm4b:s2+s3], $0x80, v4, vm0, $0xb8;
	[tilespmem:$0x1C100] =	vst v63  }
0x1ab: {  	s25 =	simm.s32 $0x4900;
	v3 =	vperm.xlane v3, v2  }
0x1ac: {  	[tilespmem:s25], [sflag:$0x2] =	stream.indirect_vreg.gather [hbm4b:s5+s3], $0x80, v4, vm0, $0xb8;
	[tilespmem:$0x1C100] =	vst v63  }
0x1ad: {  	s28 =	simm.s32 $0x5100;
	v3 =	vadd.s32 v1, v3  }
0x1ae: {  	[tilespmem:s28], [sflag:$0x2] =	stream.indirect_vreg.gather [hbm4b:s6+s3], $0x80, v4, vm0, $0xb8;
	[tilespmem:$0x1C100] =	vst v63  }
0x1af: {  	s25 =	simm.s32 $0x5900  }
0x1b0: {  	[tilespmem:s25], [sflag:$0x2] =	stream.indirect_vreg.gather [hbm4b:s7+s3], $0x80, v4, vm0, $0xb8;
	[tilespmem:$0x1C100] =	vst v63  }
0x1b1: {  	s28 =	simm.s32 $0x6100  }
0x1b2: {  	[tilespmem:s28], [sflag:$0x2] =	stream.indirect_vreg.gather [hbm4b:s2+s3], $0x80, v3, vm0, $0xb8;
	[tilespmem:$0x1C100] =	vst v63  }
0x1b3: {  	s25 =	simm.s32 $0x6900  }
0x1b4: {  	[tilespmem:s25], [sflag:$0x2] =	stream.indirect_vreg.gather [hbm4b:s5+s3], $0x80, v3, vm0, $0xb8;
	[tilespmem:$0x1C100] =	vst v63  }
0x1b5: {  	s28 =	simm.s32 $0x7100  }
0x1b6: {  	[tilespmem:s28], [sflag:$0x2] =	stream.indirect_vreg.gather [hbm4b:s6+s3], $0x80, v3, vm0, $0xb8;
	[tilespmem:$0x1C100] =	vst v63  }
0x1b7: {  	s25 =	simm.s32 $0x7900  }
0x1b8: {  	[tilespmem:s25], [sflag:$0x2] =	stream.indirect_vreg.gather [hbm4b:s7+s3], $0x80, v3, vm0, $0xb8;
	[tilespmem:$0x1C100] =	vst v63  }
0x1b9: {  	_ =	swait.ge [sflag:s31], $0x4000  }
0x1ba: {  	[sflag:s31] =	ssyncset.done $0x0  }
0x1bb: {  	s24 =	simm.s32 $0xC100;
	s28 =	rddreg [dreg:$0xe];
	[sflag:s31] =	ssyncadd.s32 $0xFFFFC000  }
0x1bc: {  	[hbm4b:s28+s3] =	stream.linear.scatter [tilespmem:s24], [sflag:$0xB], $0x4000, $0x38;
	[tilespmem:$0x1C100] =	vst v63  }
0x1bd: {  	_ =	swait.ge [sflag:s10], $0x4000  }
0x1be: {  	[sflag:s10] =	ssyncset.done $0x0  }
0x1bf: {  	s13 =	simm.s32 $0x10100;
	s31 =	rddreg [dreg:$0xf];
	[sflag:s10] =	ssyncadd.s32 $0xFFFFC000  }
0x1c0: {  	[hbm4b:s31+s3] =	stream.linear.scatter [tilespmem:s13], [sflag:$0xC], $0x4000, $0x38;
	[tilespmem:$0x1C100] =	vst v63  }
0x1c1: {  	_ =	swait.ge [sflag:s14], $0x4000  }
0x1c2: {  	[sflag:s14] =	ssyncset.done $0x0  }
0x1c3: {  	s20 =	simm.s32 $0x14100;
	s24 =	rddreg [dreg:$0x10];
	[sflag:s14] =	ssyncadd.s32 $0xFFFFC000  }
0x1c4: {  	[hbm4b:s24+s3] =	stream.linear.scatter [tilespmem:s20], [sflag:$0xD], $0x4000, $0x38;
	[tilespmem:$0x1C100] =	vst v63  }
0x1c5: {  	_ =	swait.ge [sflag:s16], $0x4000  }
0x1c6: {  	[sflag:s16] =	ssyncset.done $0x0  }
0x1c7: {  	s25 =	rddreg [dreg:$0x11];
	[sflag:s16] =	ssyncadd.s32 $0xFFFFC000  }
0x1c8: {  	[hbm4b:s25+s3] =	stream.linear.scatter [tilespmem:s9], [sflag:$0xE], $0x4000, $0x38;
	[tilespmem:$0x1C100] =	vst v63  }
0x1c9: {  	_ =	swait.ge [sflag:s12], $0x4000  }
0x1ca: {  	[sflag:s12] =	ssyncset.done $0x0  }
0x1cb: {  	s28 =	rddreg [dreg:$0x12];
	[sflag:s12] =	ssyncadd.s32 $0xFFFFC000  }
0x1cc: {  	[hbm4b:s28+s3] =	stream.linear.scatter [tilespmem:s18], [sflag:$0x8], $0x4000, $0x38;
	[tilespmem:$0x1C100] =	vst v63  }
0x1cd: {  	_ =	swait.ge [sflag:s0], $0x4000  }
0x1ce: {  	[sflag:s0] =	ssyncset.done $0x0  }
0x1cf: {  	s31 =	rddreg [dreg:$0x13];
	[sflag:s0] =	ssyncadd.s32 $0xFFFFC000  }
0x1d0: {  	[hbm4b:s31+s3] =	stream.linear.scatter [tilespmem:s1], [sflag:$0x9], $0x4000, $0x38;
	[tilespmem:$0x1C100] =	vst v63  }
0x1d1: {  	_ =	swait.ge [sflag:s21], $0x4000  }
0x1d2: {  	[sflag:s21] =	ssyncset.done $0x0  }
0x1d3: {  	[sflag:s21] =	ssyncadd.s32 $0xFFFFC000  }
0x1d4: {  	_ =	swait.ge [sflag:s23], $0x4000  }
0x1d5: {  	[sflag:s23] =	ssyncset.done $0x0  }
0x1d6: {  	[sflag:s23] =	ssyncadd.s32 $0xFFFFC000  }
0x1d7: {  	_ =	swait.ge [sflag:s15], $0x4000  }
0x1d8: {  	[sflag:s15] =	ssyncset.done $0x0  }
0x1d9: {  	[sflag:s15] =	ssyncadd.s32 $0xFFFFC000  }
0x1da: {  	_ =	swait.ge [sflag:s17], $0x4000  }
0x1db: {  	[sflag:s17] =	ssyncset.done $0x0  }
0x1dc: {  	[sflag:s17] =	ssyncadd.s32 $0xFFFFC000  }
0x1dd: {  	_ =	swait.ge [sflag:s19], $0x4000  }
0x1de: {  	[sflag:s19] =	ssyncset.done $0x0  }
0x1df: {  	[sflag:s19] =	ssyncadd.s32 $0xFFFFC000  }
0x1e0: {  	p0 =	sne.s32 s8, $0x1;
	_ =	swait.ge [sflag:s4], $0x4000  }
.Ltmp0:
0x1e1: {  	[sflag:s4] =	ssyncset.done $0x0;
	(pc) =	sbr.rel @p0 .LBB2_1-.Ltmp0, $4  }
0x1e2: {  	[sflag:s4] =	ssyncadd.s32 $0xFFFFC000  }
0x1e3: {  	_ =	swait.ge [sflag:s11], $0x4000  }
0x1e4: {  	[sflag:s11] =	ssyncset.done $0x0  }
0x1e5: {  	s8 =	sadd.s32 $0xFFFFFFFF, s8;
	[sflag:s11] =	ssyncadd.s32 $0xFFFFC000  }
0x1e6: {  	_ =	sfence.sel $0x180000  }
0x1e7: {  	[bflag:$0x0] =	sbarrier.arrive $0xFFFF  }
0x1e8: {  	_ =	strace $0x90000047  }
0x1e9: {  	s0 =	stileid.u32;
	[bflag:$0x2] =	sbarrier.arrive $0xFFFF  }
0x1ea: {  	p0 =	sne.s32 s0, $0x0;
	s0 =	rddreg [dreg:$0x3]  }
0x1eb: {  	s0 =	sadd.s32 @!p0 $0x100000, s0  }
0x1ec: {  	[sflag:s0] =	ssyncadd.tile.s32 @!p0 $0x1;
	_ =	shalt  }
.Lfunc_end2:
_tile_overlayer_lowered:
.L_overlay_start_2:
0x1ed: {  	(tag) =	ssettag $0x2  }
0x1ee: {  	s0 =	rddreg [dreg:$0x0];
	s2 =	stileid.u32  }
0x1ef: {  	s1 =	rddreg [dreg:$0x1];
	p0 =	sne.s32 s2, $0x0  }
0x1f0: {  	s3 =	rddreg [dreg:$0x2];
	[bflag:$0x3] =	sbarrier.arrive $0xFFFF;
	s2 =	simm.s32 @!p0 $0x1C0F  }
0x1f1: {  	[timem:s3], [sflag:s2] =	dma.local @!p0 [hbm:s0], s1  }
0x1f2: {  	s0 =	simm.s32 @!p0 $0xF  }
0x1f3: {  	_ =	swait.ge @!p0 [sflag:s0], s1  }
0x1f4: {  	s1 =	ssub.s32 @!p0 $0x0, s1;
	[sflag:s0] =	ssyncset.done @!p0 $0x0  }
0x1f5: {  	[sflag:s0] =	ssyncadd.s32 @!p0 s1  }
0x1f6: {  	[bflag:$0x3] =	sbarrier.arrive $0xFFFF  }
0x1f7: {  	_ =	shalt  }

</sc_bundles>
